<compile_context>
chip_gen: v7x
topology: tpu7x:2x2x1
jax: 0.10.2.dev20260603
libtpu: 0.0.44.dev20260713+nightly
codegen_flags: <defaults>
</compile_context>

<pallas_src>
import functools

import jax
import jax.numpy as jnp
from jax import lax
from jax.experimental import pallas as pl
from jax.experimental.pallas import tpu as pltpu
from jax.experimental.pallas import tpu_sc as plsc

N_DOM = 8
N_TOK = 16384
D = 512

_NC = 2
_NS = 16
_NW = _NC * _NS
_L = 16

_BPW = N_TOK // _NW
_C = 64
_NCHUNK = _BPW // _C
_NBUF = 3


def _body(x_hbm, idx_hbm, out_hbm, idx_v, *rest):
    bufs = rest[:_NBUF]
    gsems = rest[_NBUF:2 * _NBUF]
    wsems = rest[2 * _NBUF:]
    wid = lax.axis_index("s") * _NC + lax.axis_index("c")
    base = wid * _BPW

    pltpu.sync_copy(idx_hbm.at[pl.ds(base, _BPW)], idx_v)

    nbuf = _NBUF

    def gstart(i):
        return pltpu.async_copy(
            x_hbm.at[idx_v.at[pl.ds(i * _C, _C)]], bufs[i % nbuf], gsems[i % nbuf]
        )

    def wstart(i):
        return pltpu.async_copy(
            bufs[i % nbuf], out_hbm.at[pl.ds(base + i * _C, _C)], wsems[i % nbuf]
        )

    gathers = [None] * _NCHUNK
    writes = [None] * _NCHUNK
    for i in range(min(nbuf - 1, _NCHUNK)):
        gathers[i] = gstart(i)
    for i in range(_NCHUNK):
        gathers[i].wait()
        writes[i] = wstart(i)
        if i + nbuf - 1 < _NCHUNK:
            if i >= 1:
                writes[i - 1].wait()
            gathers[i + nbuf - 1] = gstart(i + nbuf - 1)
    for i in range(max(0, _NCHUNK - nbuf), _NCHUNK):
        writes[i].wait()


@jax.jit
def _run(x_flat, row_ids):
    mesh = plsc.VectorSubcoreMesh(core_axis_name="c", subcore_axis_name="s")
    return pl.kernel(
        _body,
        out_type=jax.ShapeDtypeStruct((N_TOK, D), jnp.float32),
        mesh=mesh,
        scratch_types=(
            [pltpu.VMEM((_BPW,), jnp.int32)]
            + [pltpu.VMEM((_C, D), jnp.float32) for _ in range(_NBUF)]
            + [pltpu.SemaphoreType.DMA for _ in range(2 * _NBUF)]
        ),
    )(x_flat, row_ids)


def kernel(X, sample_domain):
    x_flat = X.reshape(N_DOM * N_TOK, D)
    sd = sample_domain.astype(jnp.int32)
    row_ids = ((sd - 1) & (N_DOM - 1)) * N_TOK + jnp.arange(
        N_TOK, dtype=jnp.int32
    )
    return _run(x_flat, row_ids)

# --- scband reference (transcript-rebuilt; emitter-appended) ---
"""Pipeline reference for scband-select-domain-module-65506841199098 (READ-ONLY COPY).

The authoritative reference and input builder live on the scoring server;
editing this copy changes nothing except your own understanding.
"""

import jax, jax.numpy as jnp
import numpy as np


def setup_inputs(seed: int = 0) -> dict:
    key = jax.random.key(seed)
    k1, k2 = jax.random.split(key)
    X = jax.random.normal(k1, (8, 16384, 512), dtype=jnp.float32)
    sample_domain = jax.random.randint(k2, (16384,), 0, 8)
    return {"X": X, "sample_domain": sample_domain}


def reference(X, sample_domain):
    # is_source=True branch: per-token domain selection.
    # X[sample_domain - 1, arange(N)] -> [N, d]
    n = X.shape[1]
    return X[sample_domain - 1, jnp.arange(n)]

if __name__ == "__main__":
    import jax
    _d = setup_inputs()
    print(jax.jit(kernel)(*tuple(_d.values())))

</pallas_src>

<mosaic_0001>
#map = affine_map<(d0, d1) -> (0, 0)>
#map1 = affine_map<(d0, d1) -> (0)>
module attributes {stable_mosaic.version = 14 : i64} {
  func.func @_body(%arg0: i32, %arg1: i32, %arg2: memref<131072x512xf32, #tpu.memory_space<hbm>>, %arg3: memref<16384xi32, #tpu.memory_space<hbm>>, %arg4: memref<16384x512xf32, #tpu.memory_space<hbm>>, %arg5: memref<512xi32, #tpu.memory_space<vmem>>, %arg6: memref<64x512xf32, #tpu.memory_space<vmem>>, %arg7: memref<64x512xf32, #tpu.memory_space<vmem>>, %arg8: memref<64x512xf32, #tpu.memory_space<vmem>>, %arg9: memref<!tpu.dma_semaphore, #tpu.memory_space<semaphore_mem>>, %arg10: memref<!tpu.dma_semaphore, #tpu.memory_space<semaphore_mem>>, %arg11: memref<!tpu.dma_semaphore, #tpu.memory_space<semaphore_mem>>, %arg12: memref<!tpu.dma_semaphore, #tpu.memory_space<semaphore_mem>>, %arg13: memref<!tpu.dma_semaphore, #tpu.memory_space<semaphore_mem>>, %arg14: memref<!tpu.dma_semaphore, #tpu.memory_space<semaphore_mem>>) attributes {dimension_semantics = [#tpu.dimension_semantics<core_parallel>, #tpu.dimension_semantics<subcore_parallel>], iteration_bounds = array<i64: 2, 16>, scalar_prefetch = 0 : i64, scratch_operands = 10 : i64, tpu.core_type = #tpu.core_type<sc_vector_subcore>, window_params = [{transform_indices = #map}, {transform_indices = #map1}, {transform_indices = #map}]} {
    %mul3A = arith.constant 2 : i32
    %mul3A_0 = arith.muli %arg1, %mul3A : i32
    %add3A = arith.addi %mul3A_0, %arg0 : i32
    %mul3A_1 = arith.constant 512 : i32
    %mul3A_2 = arith.muli %add3A, %mul3A_1 : i32
    "tpu.region"() ({
      %run_scoped3A = tpu.sem_alloc : memref<!tpu.dma_semaphore, #tpu.memory_space<semaphore_mem>>
      %dma_start3A_161 = tpu.memref_slice %arg3[%mul3A_2] : memref<16384xi32, #tpu.memory_space<hbm>> -> memref<512xi32, #tpu.memory_space<hbm>>
      %dma_start3A_162 = tpu.memref_slice %arg3[%mul3A_2] : memref<16384xi32, #tpu.memory_space<hbm>> -> memref<512xi32, #tpu.memory_space<hbm>>
      tpu.enqueue_dma source(%dma_start3A_162 : memref<512xi32, #tpu.memory_space<hbm>>) target(%arg5 : memref<512xi32, #tpu.memory_space<vmem>>) target_semaphore(%run_scoped3A : memref<!tpu.dma_semaphore, #tpu.memory_space<semaphore_mem>>)
      %dma_wait3A_163 = tpu.memref_slice %arg3[%mul3A_2] : memref<16384xi32, #tpu.memory_space<hbm>> -> memref<512xi32, #tpu.memory_space<hbm>>
      %dma_wait3A_164 = tpu.memref_slice %arg3[%mul3A_2] : memref<16384xi32, #tpu.memory_space<hbm>> -> memref<512xi32, #tpu.memory_space<hbm>>
      tpu.wait_dma2 semaphore(%run_scoped3A : memref<!tpu.dma_semaphore, #tpu.memory_space<semaphore_mem>>) src(%dma_wait3A_164 : memref<512xi32, #tpu.memory_space<hbm>>) dst(%arg5 : memref<512xi32, #tpu.memory_space<vmem>>)
      tpu.yield
    }) : () -> ()
    %dma_start3A = arith.constant 0 : i32
    %dma_start3A_3 = tpu.memref_slice %arg5[%dma_start3A] : memref<512xi32, #tpu.memory_space<vmem>> -> memref<64xi32, #tpu.memory_space<vmem>>
    %dma_start3A_4 = arith.constant 0 : i32
    %dma_start3A_5 = arith.constant 0 : i32
    %dma_start3A_6 = tpu.memref_slice %arg2[%dma_start3A_4, %dma_start3A_5] : memref<131072x512xf32, #tpu.memory_space<hbm>> -> memref<131072x512xf32, #tpu.memory_space<hbm>>
    tpu.enqueue_indirect_dma source(%dma_start3A_6 : memref<131072x512xf32, #tpu.memory_space<hbm>>) target(%arg6 : memref<64x512xf32, #tpu.memory_space<vmem>>) offsets(%dma_start3A_3 : memref<64xi32, #tpu.memory_space<vmem>>) semaphore(%arg9 : memref<!tpu.dma_semaphore, #tpu.memory_space<semaphore_mem>>)
    %dma_start3A_7 = arith.constant 64 : i32
    %dma_start3A_8 = tpu.memref_slice %arg5[%dma_start3A_7] : memref<512xi32, #tpu.memory_space<vmem>> -> memref<64xi32, #tpu.memory_space<vmem>>
    %dma_start3A_9 = arith.constant 0 : i32
    %dma_start3A_10 = arith.constant 0 : i32
    %dma_start3A_11 = tpu.memref_slice %arg2[%dma_start3A_9, %dma_start3A_10] : memref<131072x512xf32, #tpu.memory_space<hbm>> -> memref<131072x512xf32, #tpu.memory_space<hbm>>
    tpu.enqueue_indirect_dma source(%dma_start3A_11 : memref<131072x512xf32, #tpu.memory_space<hbm>>) target(%arg7 : memref<64x512xf32, #tpu.memory_space<vmem>>) offsets(%dma_start3A_8 : memref<64xi32, #tpu.memory_space<vmem>>) semaphore(%arg10 : memref<!tpu.dma_semaphore, #tpu.memory_space<semaphore_mem>>)
    %dma_wait3A = arith.constant 0 : i32
    %dma_wait3A_12 = tpu.memref_slice %arg5[%dma_wait3A] : memref<512xi32, #tpu.memory_space<vmem>> -> memref<64xi32, #tpu.memory_space<vmem>>
    %dma_wait3A_13 = arith.constant 0 : i32
    %dma_wait3A_14 = arith.constant 0 : i32
    %dma_wait3A_15 = tpu.memref_slice %arg2[%dma_wait3A_13, %dma_wait3A_14] : memref<131072x512xf32, #tpu.memory_space<hbm>> -> memref<131072x512xf32, #tpu.memory_space<hbm>>
    tpu.wait_indirect_dma semaphore(%arg9 : memref<!tpu.dma_semaphore, #tpu.memory_space<semaphore_mem>>) src(%dma_wait3A_15 : memref<131072x512xf32, #tpu.memory_space<hbm>>) dst(%arg6 : memref<64x512xf32, #tpu.memory_space<vmem>>)
    %add3A_16 = arith.constant 0 : i32
    %add3A_17 = arith.addi %mul3A_2, %add3A_16 : i32
    %dma_start3A_18 = arith.constant 0 : i32
    %dma_start3A_19 = tpu.memref_slice %arg4[%add3A_17, %dma_start3A_18] : memref<16384x512xf32, #tpu.memory_space<hbm>> -> memref<64x512xf32, #tpu.memory_space<hbm>>
    %dma_start3A_20 = arith.constant 0 : i32
    %dma_start3A_21 = tpu.memref_slice %arg4[%add3A_17, %dma_start3A_20] : memref<16384x512xf32, #tpu.memory_space<hbm>> -> memref<64x512xf32, #tpu.memory_space<hbm>>
    tpu.enqueue_dma source(%arg6 : memref<64x512xf32, #tpu.memory_space<vmem>>) target(%dma_start3A_21 : memref<64x512xf32, #tpu.memory_space<hbm>>) target_semaphore(%arg12 : memref<!tpu.dma_semaphore, #tpu.memory_space<semaphore_mem>>)
    %dma_start3A_22 = arith.constant 128 : i32
    %dma_start3A_23 = tpu.memref_slice %arg5[%dma_start3A_22] : memref<512xi32, #tpu.memory_space<vmem>> -> memref<64xi32, #tpu.memory_space<vmem>>
    %dma_start3A_24 = arith.constant 0 : i32
    %dma_start3A_25 = arith.constant 0 : i32
    %dma_start3A_26 = tpu.memref_slice %arg2[%dma_start3A_24, %dma_start3A_25] : memref<131072x512xf32, #tpu.memory_space<hbm>> -> memref<131072x512xf32, #tpu.memory_space<hbm>>
    tpu.enqueue_indirect_dma source(%dma_start3A_26 : memref<131072x512xf32, #tpu.memory_space<hbm>>) target(%arg8 : memref<64x512xf32, #tpu.memory_space<vmem>>) offsets(%dma_start3A_23 : memref<64xi32, #tpu.memory_space<vmem>>) semaphore(%arg11 : memref<!tpu.dma_semaphore, #tpu.memory_space<semaphore_mem>>)
    %dma_wait3A_27 = arith.constant 64 : i32
    %dma_wait3A_28 = tpu.memref_slice %arg5[%dma_wait3A_27] : memref<512xi32, #tpu.memory_space<vmem>> -> memref<64xi32, #tpu.memory_space<vmem>>
    %dma_wait3A_29 = arith.constant 0 : i32
    %dma_wait3A_30 = arith.constant 0 : i32
    %dma_wait3A_31 = tpu.memref_slice %arg2[%dma_wait3A_29, %dma_wait3A_30] : memref<131072x512xf32, #tpu.memory_space<hbm>> -> memref<131072x512xf32, #tpu.memory_space<hbm>>
    tpu.wait_indirect_dma semaphore(%arg10 : memref<!tpu.dma_semaphore, #tpu.memory_space<semaphore_mem>>) src(%dma_wait3A_31 : memref<131072x512xf32, #tpu.memory_space<hbm>>) dst(%arg7 : memref<64x512xf32, #tpu.memory_space<vmem>>)
    %add3A_32 = arith.constant 64 : i32
    %add3A_33 = arith.addi %mul3A_2, %add3A_32 : i32
    %dma_start3A_34 = arith.constant 0 : i32
    %dma_start3A_35 = tpu.memref_slice %arg4[%add3A_33, %dma_start3A_34] : memref<16384x512xf32, #tpu.memory_space<hbm>> -> memref<64x512xf32, #tpu.memory_space<hbm>>
    %dma_start3A_36 = arith.constant 0 : i32
    %dma_start3A_37 = tpu.memref_slice %arg4[%add3A_33, %dma_start3A_36] : memref<16384x512xf32, #tpu.memory_space<hbm>> -> memref<64x512xf32, #tpu.memory_space<hbm>>
    tpu.enqueue_dma source(%arg7 : memref<64x512xf32, #tpu.memory_space<vmem>>) target(%dma_start3A_37 : memref<64x512xf32, #tpu.memory_space<hbm>>) target_semaphore(%arg13 : memref<!tpu.dma_semaphore, #tpu.memory_space<semaphore_mem>>)
    %dma_wait3A_38 = arith.constant 0 : i32
    %dma_wait3A_39 = tpu.memref_slice %arg4[%add3A_17, %dma_wait3A_38] : memref<16384x512xf32, #tpu.memory_space<hbm>> -> memref<64x512xf32, #tpu.memory_space<hbm>>
    %dma_wait3A_40 = arith.constant 0 : i32
    %dma_wait3A_41 = tpu.memref_slice %arg4[%add3A_17, %dma_wait3A_40] : memref<16384x512xf32, #tpu.memory_space<hbm>> -> memref<64x512xf32, #tpu.memory_space<hbm>>
    tpu.wait_dma2 semaphore(%arg12 : memref<!tpu.dma_semaphore, #tpu.memory_space<semaphore_mem>>) src(%arg6 : memref<64x512xf32, #tpu.memory_space<vmem>>) dst(%dma_wait3A_41 : memref<64x512xf32, #tpu.memory_space<hbm>>)
    %dma_start3A_42 = arith.constant 192 : i32
    %dma_start3A_43 = tpu.memref_slice %arg5[%dma_start3A_42] : memref<512xi32, #tpu.memory_space<vmem>> -> memref<64xi32, #tpu.memory_space<vmem>>
    %dma_start3A_44 = arith.constant 0 : i32
    %dma_start3A_45 = arith.constant 0 : i32
    %dma_start3A_46 = tpu.memref_slice %arg2[%dma_start3A_44, %dma_start3A_45] : memref<131072x512xf32, #tpu.memory_space<hbm>> -> memref<131072x512xf32, #tpu.memory_space<hbm>>
    tpu.enqueue_indirect_dma source(%dma_start3A_46 : memref<131072x512xf32, #tpu.memory_space<hbm>>) target(%arg6 : memref<64x512xf32, #tpu.memory_space<vmem>>) offsets(%dma_start3A_43 : memref<64xi32, #tpu.memory_space<vmem>>) semaphore(%arg9 : memref<!tpu.dma_semaphore, #tpu.memory_space<semaphore_mem>>)
    %dma_wait3A_47 = arith.constant 128 : i32
    %dma_wait3A_48 = tpu.memref_slice %arg5[%dma_wait3A_47] : memref<512xi32, #tpu.memory_space<vmem>> -> memref<64xi32, #tpu.memory_space<vmem>>
    %dma_wait3A_49 = arith.constant 0 : i32
    %dma_wait3A_50 = arith.constant 0 : i32
    %dma_wait3A_51 = tpu.memref_slice %arg2[%dma_wait3A_49, %dma_wait3A_50] : memref<131072x512xf32, #tpu.memory_space<hbm>> -> memref<131072x512xf32, #tpu.memory_space<hbm>>
    tpu.wait_indirect_dma semaphore(%arg11 : memref<!tpu.dma_semaphore, #tpu.memory_space<semaphore_mem>>) src(%dma_wait3A_51 : memref<131072x512xf32, #tpu.memory_space<hbm>>) dst(%arg8 : memref<64x512xf32, #tpu.memory_space<vmem>>)
    %add3A_52 = arith.constant 128 : i32
    %add3A_53 = arith.addi %mul3A_2, %add3A_52 : i32
    %dma_start3A_54 = arith.constant 0 : i32
    %dma_start3A_55 = tpu.memref_slice %arg4[%add3A_53, %dma_start3A_54] : memref<16384x512xf32, #tpu.memory_space<hbm>> -> memref<64x512xf32, #tpu.memory_space<hbm>>
    %dma_start3A_56 = arith.constant 0 : i32
    %dma_start3A_57 = tpu.memref_slice %arg4[%add3A_53, %dma_start3A_56] : memref<16384x512xf32, #tpu.memory_space<hbm>> -> memref<64x512xf32, #tpu.memory_space<hbm>>
    tpu.enqueue_dma source(%arg8 : memref<64x512xf32, #tpu.memory_space<vmem>>) target(%dma_start3A_57 : memref<64x512xf32, #tpu.memory_space<hbm>>) target_semaphore(%arg14 : memref<!tpu.dma_semaphore, #tpu.memory_space<semaphore_mem>>)
    %dma_wait3A_58 = arith.constant 0 : i32
    %dma_wait3A_59 = tpu.memref_slice %arg4[%add3A_33, %dma_wait3A_58] : memref<16384x512xf32, #tpu.memory_space<hbm>> -> memref<64x512xf32, #tpu.memory_space<hbm>>
    %dma_wait3A_60 = arith.constant 0 : i32
    %dma_wait3A_61 = tpu.memref_slice %arg4[%add3A_33, %dma_wait3A_60] : memref<16384x512xf32, #tpu.memory_space<hbm>> -> memref<64x512xf32, #tpu.memory_space<hbm>>
    tpu.wait_dma2 semaphore(%arg13 : memref<!tpu.dma_semaphore, #tpu.memory_space<semaphore_mem>>) src(%arg7 : memref<64x512xf32, #tpu.memory_space<vmem>>) dst(%dma_wait3A_61 : memref<64x512xf32, #tpu.memory_space<hbm>>)
    %dma_start3A_62 = arith.constant 256 : i32
    %dma_start3A_63 = tpu.memref_slice %arg5[%dma_start3A_62] : memref<512xi32, #tpu.memory_space<vmem>> -> memref<64xi32, #tpu.memory_space<vmem>>
    %dma_start3A_64 = arith.constant 0 : i32
    %dma_start3A_65 = arith.constant 0 : i32
    %dma_start3A_66 = tpu.memref_slice %arg2[%dma_start3A_64, %dma_start3A_65] : memref<131072x512xf32, #tpu.memory_space<hbm>> -> memref<131072x512xf32, #tpu.memory_space<hbm>>
    tpu.enqueue_indirect_dma source(%dma_start3A_66 : memref<131072x512xf32, #tpu.memory_space<hbm>>) target(%arg7 : memref<64x512xf32, #tpu.memory_space<vmem>>) offsets(%dma_start3A_63 : memref<64xi32, #tpu.memory_space<vmem>>) semaphore(%arg10 : memref<!tpu.dma_semaphore, #tpu.memory_space<semaphore_mem>>)
    %dma_wait3A_67 = arith.constant 192 : i32
    %dma_wait3A_68 = tpu.memref_slice %arg5[%dma_wait3A_67] : memref<512xi32, #tpu.memory_space<vmem>> -> memref<64xi32, #tpu.memory_space<vmem>>
    %dma_wait3A_69 = arith.constant 0 : i32
    %dma_wait3A_70 = arith.constant 0 : i32
    %dma_wait3A_71 = tpu.memref_slice %arg2[%dma_wait3A_69, %dma_wait3A_70] : memref<131072x512xf32, #tpu.memory_space<hbm>> -> memref<131072x512xf32, #tpu.memory_space<hbm>>
    tpu.wait_indirect_dma semaphore(%arg9 : memref<!tpu.dma_semaphore, #tpu.memory_space<semaphore_mem>>) src(%dma_wait3A_71 : memref<131072x512xf32, #tpu.memory_space<hbm>>) dst(%arg6 : memref<64x512xf32, #tpu.memory_space<vmem>>)
    %add3A_72 = arith.constant 192 : i32
    %add3A_73 = arith.addi %mul3A_2, %add3A_72 : i32
    %dma_start3A_74 = arith.constant 0 : i32
    %dma_start3A_75 = tpu.memref_slice %arg4[%add3A_73, %dma_start3A_74] : memref<16384x512xf32, #tpu.memory_space<hbm>> -> memref<64x512xf32, #tpu.memory_space<hbm>>
    %dma_start3A_76 = arith.constant 0 : i32
    %dma_start3A_77 = tpu.memref_slice %arg4[%add3A_73, %dma_start3A_76] : memref<16384x512xf32, #tpu.memory_space<hbm>> -> memref<64x512xf32, #tpu.memory_space<hbm>>
    tpu.enqueue_dma source(%arg6 : memref<64x512xf32, #tpu.memory_space<vmem>>) target(%dma_start3A_77 : memref<64x512xf32, #tpu.memory_space<hbm>>) target_semaphore(%arg12 : memref<!tpu.dma_semaphore, #tpu.memory_space<semaphore_mem>>)
    %dma_wait3A_78 = arith.constant 0 : i32
    %dma_wait3A_79 = tpu.memref_slice %arg4[%add3A_53, %dma_wait3A_78] : memref<16384x512xf32, #tpu.memory_space<hbm>> -> memref<64x512xf32, #tpu.memory_space<hbm>>
    %dma_wait3A_80 = arith.constant 0 : i32
    %dma_wait3A_81 = tpu.memref_slice %arg4[%add3A_53, %dma_wait3A_80] : memref<16384x512xf32, #tpu.memory_space<hbm>> -> memref<64x512xf32, #tpu.memory_space<hbm>>
    tpu.wait_dma2 semaphore(%arg14 : memref<!tpu.dma_semaphore, #tpu.memory_space<semaphore_mem>>) src(%arg8 : memref<64x512xf32, #tpu.memory_space<vmem>>) dst(%dma_wait3A_81 : memref<64x512xf32, #tpu.memory_space<hbm>>)
    %dma_start3A_82 = arith.constant 320 : i32
    %dma_start3A_83 = tpu.memref_slice %arg5[%dma_start3A_82] : memref<512xi32, #tpu.memory_space<vmem>> -> memref<64xi32, #tpu.memory_space<vmem>>
    %dma_start3A_84 = arith.constant 0 : i32
    %dma_start3A_85 = arith.constant 0 : i32
    %dma_start3A_86 = tpu.memref_slice %arg2[%dma_start3A_84, %dma_start3A_85] : memref<131072x512xf32, #tpu.memory_space<hbm>> -> memref<131072x512xf32, #tpu.memory_space<hbm>>
    tpu.enqueue_indirect_dma source(%dma_start3A_86 : memref<131072x512xf32, #tpu.memory_space<hbm>>) target(%arg8 : memref<64x512xf32, #tpu.memory_space<vmem>>) offsets(%dma_start3A_83 : memref<64xi32, #tpu.memory_space<vmem>>) semaphore(%arg11 : memref<!tpu.dma_semaphore, #tpu.memory_space<semaphore_mem>>)
    %dma_wait3A_87 = arith.constant 256 : i32
    %dma_wait3A_88 = tpu.memref_slice %arg5[%dma_wait3A_87] : memref<512xi32, #tpu.memory_space<vmem>> -> memref<64xi32, #tpu.memory_space<vmem>>
    %dma_wait3A_89 = arith.constant 0 : i32
    %dma_wait3A_90 = arith.constant 0 : i32
    %dma_wait3A_91 = tpu.memref_slice %arg2[%dma_wait3A_89, %dma_wait3A_90] : memref<131072x512xf32, #tpu.memory_space<hbm>> -> memref<131072x512xf32, #tpu.memory_space<hbm>>
    tpu.wait_indirect_dma semaphore(%arg10 : memref<!tpu.dma_semaphore, #tpu.memory_space<semaphore_mem>>) src(%dma_wait3A_91 : memref<131072x512xf32, #tpu.memory_space<hbm>>) dst(%arg7 : memref<64x512xf32, #tpu.memory_space<vmem>>)
    %add3A_92 = arith.constant 256 : i32
    %add3A_93 = arith.addi %mul3A_2, %add3A_92 : i32
    %dma_start3A_94 = arith.constant 0 : i32
    %dma_start3A_95 = tpu.memref_slice %arg4[%add3A_93, %dma_start3A_94] : memref<16384x512xf32, #tpu.memory_space<hbm>> -> memref<64x512xf32, #tpu.memory_space<hbm>>
    %dma_start3A_96 = arith.constant 0 : i32
    %dma_start3A_97 = tpu.memref_slice %arg4[%add3A_93, %dma_start3A_96] : memref<16384x512xf32, #tpu.memory_space<hbm>> -> memref<64x512xf32, #tpu.memory_space<hbm>>
    tpu.enqueue_dma source(%arg7 : memref<64x512xf32, #tpu.memory_space<vmem>>) target(%dma_start3A_97 : memref<64x512xf32, #tpu.memory_space<hbm>>) target_semaphore(%arg13 : memref<!tpu.dma_semaphore, #tpu.memory_space<semaphore_mem>>)
    %dma_wait3A_98 = arith.constant 0 : i32
    %dma_wait3A_99 = tpu.memref_slice %arg4[%add3A_73, %dma_wait3A_98] : memref<16384x512xf32, #tpu.memory_space<hbm>> -> memref<64x512xf32, #tpu.memory_space<hbm>>
    %dma_wait3A_100 = arith.constant 0 : i32
    %dma_wait3A_101 = tpu.memref_slice %arg4[%add3A_73, %dma_wait3A_100] : memref<16384x512xf32, #tpu.memory_space<hbm>> -> memref<64x512xf32, #tpu.memory_space<hbm>>
    tpu.wait_dma2 semaphore(%arg12 : memref<!tpu.dma_semaphore, #tpu.memory_space<semaphore_mem>>) src(%arg6 : memref<64x512xf32, #tpu.memory_space<vmem>>) dst(%dma_wait3A_101 : memref<64x512xf32, #tpu.memory_space<hbm>>)
    %dma_start3A_102 = arith.constant 384 : i32
    %dma_start3A_103 = tpu.memref_slice %arg5[%dma_start3A_102] : memref<512xi32, #tpu.memory_space<vmem>> -> memref<64xi32, #tpu.memory_space<vmem>>
    %dma_start3A_104 = arith.constant 0 : i32
    %dma_start3A_105 = arith.constant 0 : i32
    %dma_start3A_106 = tpu.memref_slice %arg2[%dma_start3A_104, %dma_start3A_105] : memref<131072x512xf32, #tpu.memory_space<hbm>> -> memref<131072x512xf32, #tpu.memory_space<hbm>>
    tpu.enqueue_indirect_dma source(%dma_start3A_106 : memref<131072x512xf32, #tpu.memory_space<hbm>>) target(%arg6 : memref<64x512xf32, #tpu.memory_space<vmem>>) offsets(%dma_start3A_103 : memref<64xi32, #tpu.memory_space<vmem>>) semaphore(%arg9 : memref<!tpu.dma_semaphore, #tpu.memory_space<semaphore_mem>>)
    %dma_wait3A_107 = arith.constant 320 : i32
    %dma_wait3A_108 = tpu.memref_slice %arg5[%dma_wait3A_107] : memref<512xi32, #tpu.memory_space<vmem>> -> memref<64xi32, #tpu.memory_space<vmem>>
    %dma_wait3A_109 = arith.constant 0 : i32
    %dma_wait3A_110 = arith.constant 0 : i32
    %dma_wait3A_111 = tpu.memref_slice %arg2[%dma_wait3A_109, %dma_wait3A_110] : memref<131072x512xf32, #tpu.memory_space<hbm>> -> memref<131072x512xf32, #tpu.memory_space<hbm>>
    tpu.wait_indirect_dma semaphore(%arg11 : memref<!tpu.dma_semaphore, #tpu.memory_space<semaphore_mem>>) src(%dma_wait3A_111 : memref<131072x512xf32, #tpu.memory_space<hbm>>) dst(%arg8 : memref<64x512xf32, #tpu.memory_space<vmem>>)
    %add3A_112 = arith.constant 320 : i32
    %add3A_113 = arith.addi %mul3A_2, %add3A_112 : i32
    %dma_start3A_114 = arith.constant 0 : i32
    %dma_start3A_115 = tpu.memref_slice %arg4[%add3A_113, %dma_start3A_114] : memref<16384x512xf32, #tpu.memory_space<hbm>> -> memref<64x512xf32, #tpu.memory_space<hbm>>
    %dma_start3A_116 = arith.constant 0 : i32
    %dma_start3A_117 = tpu.memref_slice %arg4[%add3A_113, %dma_start3A_116] : memref<16384x512xf32, #tpu.memory_space<hbm>> -> memref<64x512xf32, #tpu.memory_space<hbm>>
    tpu.enqueue_dma source(%arg8 : memref<64x512xf32, #tpu.memory_space<vmem>>) target(%dma_start3A_117 : memref<64x512xf32, #tpu.memory_space<hbm>>) target_semaphore(%arg14 : memref<!tpu.dma_semaphore, #tpu.memory_space<semaphore_mem>>)
    %dma_wait3A_118 = arith.constant 0 : i32
    %dma_wait3A_119 = tpu.memref_slice %arg4[%add3A_93, %dma_wait3A_118] : memref<16384x512xf32, #tpu.memory_space<hbm>> -> memref<64x512xf32, #tpu.memory_space<hbm>>
    %dma_wait3A_120 = arith.constant 0 : i32
    %dma_wait3A_121 = tpu.memref_slice %arg4[%add3A_93, %dma_wait3A_120] : memref<16384x512xf32, #tpu.memory_space<hbm>> -> memref<64x512xf32, #tpu.memory_space<hbm>>
    tpu.wait_dma2 semaphore(%arg13 : memref<!tpu.dma_semaphore, #tpu.memory_space<semaphore_mem>>) src(%arg7 : memref<64x512xf32, #tpu.memory_space<vmem>>) dst(%dma_wait3A_121 : memref<64x512xf32, #tpu.memory_space<hbm>>)
    %dma_start3A_122 = arith.constant 448 : i32
    %dma_start3A_123 = tpu.memref_slice %arg5[%dma_start3A_122] : memref<512xi32, #tpu.memory_space<vmem>> -> memref<64xi32, #tpu.memory_space<vmem>>
    %dma_start3A_124 = arith.constant 0 : i32
    %dma_start3A_125 = arith.constant 0 : i32
    %dma_start3A_126 = tpu.memref_slice %arg2[%dma_start3A_124, %dma_start3A_125] : memref<131072x512xf32, #tpu.memory_space<hbm>> -> memref<131072x512xf32, #tpu.memory_space<hbm>>
    tpu.enqueue_indirect_dma source(%dma_start3A_126 : memref<131072x512xf32, #tpu.memory_space<hbm>>) target(%arg7 : memref<64x512xf32, #tpu.memory_space<vmem>>) offsets(%dma_start3A_123 : memref<64xi32, #tpu.memory_space<vmem>>) semaphore(%arg10 : memref<!tpu.dma_semaphore, #tpu.memory_space<semaphore_mem>>)
    %dma_wait3A_127 = arith.constant 384 : i32
    %dma_wait3A_128 = tpu.memref_slice %arg5[%dma_wait3A_127] : memref<512xi32, #tpu.memory_space<vmem>> -> memref<64xi32, #tpu.memory_space<vmem>>
    %dma_wait3A_129 = arith.constant 0 : i32
    %dma_wait3A_130 = arith.constant 0 : i32
    %dma_wait3A_131 = tpu.memref_slice %arg2[%dma_wait3A_129, %dma_wait3A_130] : memref<131072x512xf32, #tpu.memory_space<hbm>> -> memref<131072x512xf32, #tpu.memory_space<hbm>>
    tpu.wait_indirect_dma semaphore(%arg9 : memref<!tpu.dma_semaphore, #tpu.memory_space<semaphore_mem>>) src(%dma_wait3A_131 : memref<131072x512xf32, #tpu.memory_space<hbm>>) dst(%arg6 : memref<64x512xf32, #tpu.memory_space<vmem>>)
    %add3A_132 = arith.constant 384 : i32
    %add3A_133 = arith.addi %mul3A_2, %add3A_132 : i32
    %dma_start3A_134 = arith.constant 0 : i32
    %dma_start3A_135 = tpu.memref_slice %arg4[%add3A_133, %dma_start3A_134] : memref<16384x512xf32, #tpu.memory_space<hbm>> -> memref<64x512xf32, #tpu.memory_space<hbm>>
    %dma_start3A_136 = arith.constant 0 : i32
    %dma_start3A_137 = tpu.memref_slice %arg4[%add3A_133, %dma_start3A_136] : memref<16384x512xf32, #tpu.memory_space<hbm>> -> memref<64x512xf32, #tpu.memory_space<hbm>>
    tpu.enqueue_dma source(%arg6 : memref<64x512xf32, #tpu.memory_space<vmem>>) target(%dma_start3A_137 : memref<64x512xf32, #tpu.memory_space<hbm>>) target_semaphore(%arg12 : memref<!tpu.dma_semaphore, #tpu.memory_space<semaphore_mem>>)
    %dma_wait3A_138 = arith.constant 448 : i32
    %dma_wait3A_139 = tpu.memref_slice %arg5[%dma_wait3A_138] : memref<512xi32, #tpu.memory_space<vmem>> -> memref<64xi32, #tpu.memory_space<vmem>>
    %dma_wait3A_140 = arith.constant 0 : i32
    %dma_wait3A_141 = arith.constant 0 : i32
    %dma_wait3A_142 = tpu.memref_slice %arg2[%dma_wait3A_140, %dma_wait3A_141] : memref<131072x512xf32, #tpu.memory_space<hbm>> -> memref<131072x512xf32, #tpu.memory_space<hbm>>
    tpu.wait_indirect_dma semaphore(%arg10 : memref<!tpu.dma_semaphore, #tpu.memory_space<semaphore_mem>>) src(%dma_wait3A_142 : memref<131072x512xf32, #tpu.memory_space<hbm>>) dst(%arg7 : memref<64x512xf32, #tpu.memory_space<vmem>>)
    %add3A_143 = arith.constant 448 : i32
    %add3A_144 = arith.addi %mul3A_2, %add3A_143 : i32
    %dma_start3A_145 = arith.constant 0 : i32
    %dma_start3A_146 = tpu.memref_slice %arg4[%add3A_144, %dma_start3A_145] : memref<16384x512xf32, #tpu.memory_space<hbm>> -> memref<64x512xf32, #tpu.memory_space<hbm>>
    %dma_start3A_147 = arith.constant 0 : i32
    %dma_start3A_148 = tpu.memref_slice %arg4[%add3A_144, %dma_start3A_147] : memref<16384x512xf32, #tpu.memory_space<hbm>> -> memref<64x512xf32, #tpu.memory_space<hbm>>
    tpu.enqueue_dma source(%arg7 : memref<64x512xf32, #tpu.memory_space<vmem>>) target(%dma_start3A_148 : memref<64x512xf32, #tpu.memory_space<hbm>>) target_semaphore(%arg13 : memref<!tpu.dma_semaphore, #tpu.memory_space<semaphore_mem>>)
    %dma_wait3A_149 = arith.constant 0 : i32
    %dma_wait3A_150 = tpu.memref_slice %arg4[%add3A_113, %dma_wait3A_149] : memref<16384x512xf32, #tpu.memory_space<hbm>> -> memref<64x512xf32, #tpu.memory_space<hbm>>
    %dma_wait3A_151 = arith.constant 0 : i32
    %dma_wait3A_152 = tpu.memref_slice %arg4[%add3A_113, %dma_wait3A_151] : memref<16384x512xf32, #tpu.memory_space<hbm>> -> memref<64x512xf32, #tpu.memory_space<hbm>>
    tpu.wait_dma2 semaphore(%arg14 : memref<!tpu.dma_semaphore, #tpu.memory_space<semaphore_mem>>) src(%arg8 : memref<64x512xf32, #tpu.memory_space<vmem>>) dst(%dma_wait3A_152 : memref<64x512xf32, #tpu.memory_space<hbm>>)
    %dma_wait3A_153 = arith.constant 0 : i32
    %dma_wait3A_154 = tpu.memref_slice %arg4[%add3A_133, %dma_wait3A_153] : memref<16384x512xf32, #tpu.memory_space<hbm>> -> memref<64x512xf32, #tpu.memory_space<hbm>>
    %dma_wait3A_155 = arith.constant 0 : i32
    %dma_wait3A_156 = tpu.memref_slice %arg4[%add3A_133, %dma_wait3A_155] : memref<16384x512xf32, #tpu.memory_space<hbm>> -> memref<64x512xf32, #tpu.memory_space<hbm>>
    tpu.wait_dma2 semaphore(%arg12 : memref<!tpu.dma_semaphore, #tpu.memory_space<semaphore_mem>>) src(%arg6 : memref<64x512xf32, #tpu.memory_space<vmem>>) dst(%dma_wait3A_156 : memref<64x512xf32, #tpu.memory_space<hbm>>)
    %dma_wait3A_157 = arith.constant 0 : i32
    %dma_wait3A_158 = tpu.memref_slice %arg4[%add3A_144, %dma_wait3A_157] : memref<16384x512xf32, #tpu.memory_space<hbm>> -> memref<64x512xf32, #tpu.memory_space<hbm>>
    %dma_wait3A_159 = arith.constant 0 : i32
    %dma_wait3A_160 = tpu.memref_slice %arg4[%add3A_144, %dma_wait3A_159] : memref<16384x512xf32, #tpu.memory_space<hbm>> -> memref<64x512xf32, #tpu.memory_space<hbm>>
    tpu.wait_dma2 semaphore(%arg13 : memref<!tpu.dma_semaphore, #tpu.memory_space<semaphore_mem>>) src(%arg7 : memref<64x512xf32, #tpu.memory_space<vmem>>) dst(%dma_wait3A_160 : memref<64x512xf32, #tpu.memory_space<hbm>>)
    return
  }
}

</mosaic_0001>

<sc_bundles>
// kernel: _run.3.cloned.1.call-start
scs
__scs_entry_jumppad:
0x0: {  	(pc) =	sbr.rel $0x88, $3  }
0x1: {  	(tag) =	ssettag $0x0;
	lr =	simm.s32 $0x1  }
0x2: {  	[smem:$0x3F9F] =	sst lr;
	_ =	strace $0xD0000000  }
0x3: {  	_ = 	snop  }
0x4: {  	_ = 	snop  }
0x5: {  	_ = 	snop  }
0x6: {  	_ = 	snop  }
0x7: {  	_ = 	snop  }
__scs_overlays_trampoline_lowered:
0x8: {  	[smem:$0x3FAE] =	sst s0  }
0x9: {  	[smem:$0x3FAF] =	sst s1  }
0xa: {  	[smem:$0x3FB0] =	sst s2  }
0xb: {  	[smem:$0x3FB1] =	sst s3  }
0xc: {  	[smem:$0x3FB2] =	sst s4  }
0xd: {  	[smem:$0x3FB3] =	sst s5  }
0xe: {  	[smem:$0x3FB4] =	sst s6  }
0xf: {  	[smem:$0x3FB5] =	sst s7  }
0x10: {  	[smem:$0x3FB6] =	sst s8  }
0x11: {  	[smem:$0x3FB7] =	sst s9;
	s0 =	simm.s32 @!p0 $0x0  }
0x12: {  	s1 =	sld [smem:$0x3F9D];
	s0 =	simm.s32 @p0 $0x1  }
0x13: {  	[smem:$0x3FB8] =	sst s0;
	s0 =	simm.s32 @!p1 $0x0  }
0x14: {  	s2 =	sld [smem:$0x3F9C];
	s0 =	simm.s32 @p1 $0x1  }
0x15: {  	[smem:$0x3FB9] =	sst s0;
	s0 =	simm.s32 @!p2 $0x0  }
0x16: {  	s3 =	sld [smem:$0x3FDB];
	s0 =	simm.s32 @p2 $0x1  }
0x17: {  	s4 =	simm.s32 $0x1BF5;
	[smem:$0x3FBB] =	sst s0  }
0x18: {  	s0 =	sld [smem:$0x3F9E];
	_ =	swait.ge [sflag:s4], $0x0  }
0x19: {  	s7 =	sld [smem:$0x3F9F]  }
0x1a: {  	s8 =	sadd.s32 $0xFFFFE003, lr  }
0x1b: {  	s9 =	sadd.s32 $0xFFFFFEF7, lr;
	s5 =	simm.s32 $0xFFFFFFFF;
	p2 =	slt.u32 s8, $0xFFFFF086  }
0x1c: {  	p1 =	slt.u32 s9, $0xF7A;
	s5 =	simm.s32 @!p2 $0x0  }
0x1d: {  	s5 =	simm.s32 @p1 $0x1;
	p0 =	seq.s32 s7, s2  }
0x1e: {  	s7 =	smul.u32 @!p0 $0xF7A, s2;
	p2 =	seq.s32 @!p0 s5, $0x0  }
0x1f: {  	s9 =	smul.u32 $0xF7A, s1;
	s8 =	simm.s32 @!p0 $0x1BF5;
	p2 =	por !p2, p0  }
0x20: {  	[sflag:s8] =	ssyncset.s32 @!p0 $0xFFFFF086;
	s6 =	sadd.s32 @!p0 s3, s7;
	s7 =	simm.s32 @!p0 $0x108  }
0x21: {  	s3 =	sadd.s32 s3, s9;
	s6 =	sadd.s32 @!p0 $0x88, s6;
	s7 =	simm.s32 @p2 $0x1082  }
0x22: {  	[simem:s7], [sflag:s8] =	dma.local @!p0 [hbm:s6], $0xF7A  }
0x23: {  	s9 =	sor.u32 $0xD0000000, s2;
	s6 =	simm.s32 $0x108;
	_ =	swait.ge @!p0 [sflag:s8], $0x0  }
0x24: {  	s3 =	sadd.s32 $0x88, s3;
	s6 =	simm.s32 @!p1 $0x1082;
	[sflag:s4] =	ssyncset.s32 $0xFFFFF086  }
0x25: {  	[simem:s6], [sflag:s4] =	dma.local [hbm:s3], $0xF7A  }
0x26: {  	[smem:$0x3F9F] =	sst s1;
	(tag) =	ssettag s2;
	_ =	strace s9  }
0x27: {  	s1 =	sld [smem:$0x3FAF]  }
0x28: {  	s2 =	sld [smem:$0x3FB0]  }
0x29: {  	s4 =	sld [smem:$0x3FB2]  }
0x2a: {  	p0 =	seq.s32 s5, $0x0;
	s5 =	sld [smem:$0x3FB3]  }
0x2b: {  	s6 =	sld [smem:$0x3FB4]  }
0x2c: {  	s7 =	sld [smem:$0x3FB5]  }
0x2d: {  	s3 =	simm.s32 $0x108;
	s8 =	sld [smem:$0x3FB6]  }
0x2e: {  	s3 =	simm.s32 @!p0 $0x1082;
	s9 =	sld [smem:$0x3FB7]  }
0x2f: {  	lr =	sadd.s32 s0, s3;
	s0 =	sld [smem:$0x3FAE]  }
0x30: {  	s3 =	sld [smem:$0x3FB1]  }
0x31: {  	[smem:$0x3FBA] =	sst s10  }
0x32: {  	s10 =	sld [smem:$0x3FB8];
	_ =	sdelay $0x3  }
0x33: {  	p0 =	seq.s32 s10, $0x1;
	s10 =	sld [smem:$0x3FBA];
	_ =	sdelay $0x3  }
0x34: {  	[smem:$0x3FBA] =	sst s10  }
0x35: {  	s10 =	sld [smem:$0x3FB9];
	_ =	sdelay $0x3  }
0x36: {  	p1 =	seq.s32 s10, $0x1;
	s10 =	sld [smem:$0x3FBA];
	_ =	sdelay $0x3  }
0x37: {  	[smem:$0x3FBA] =	sst s10  }
0x38: {  	s10 =	sld [smem:$0x3FBB]  }
0x39: {  	_ = 	snop;
	(pc) =	sbr.ind lr, $3  }
0x3a: {  	_ = 	snop  }
0x3b: {  	_ = 	snop  }
0x3c: {  	p2 =	seq.s32 s10, $0x1;
	s10 =	sld [smem:$0x3FBA]  }
0x3d: {  	_ =	shalt  }
0x3e: {  	_ =	shalt  }
0x3f: {  	_ =	shalt  }
0x40: {  	_ =	shalt  }
0x41: {  	_ =	shalt  }
0x42: {  	_ =	shalt  }
0x43: {  	_ =	shalt  }
0x44: {  	_ =	shalt  }
0x45: {  	_ =	shalt  }
0x46: {  	_ =	shalt  }
0x47: {  	_ =	shalt  }
0x48: {  	_ =	shalt  }
0x49: {  	_ =	shalt  }
0x4a: {  	_ =	shalt  }
0x4b: {  	_ =	shalt  }
0x4c: {  	_ =	shalt  }
0x4d: {  	_ =	shalt  }
0x4e: {  	_ =	shalt  }
0x4f: {  	_ =	shalt  }
0x50: {  	_ =	shalt  }
0x51: {  	_ =	shalt  }
0x52: {  	_ =	shalt  }
0x53: {  	_ =	shalt  }
0x54: {  	_ =	shalt  }
0x55: {  	_ =	shalt  }
0x56: {  	_ =	shalt  }
0x57: {  	_ =	shalt  }
0x58: {  	_ =	shalt  }
0x59: {  	_ =	shalt  }
0x5a: {  	_ =	shalt  }
0x5b: {  	_ =	shalt  }
0x5c: {  	_ =	shalt  }
0x5d: {  	_ =	shalt  }
0x5e: {  	_ =	shalt  }
0x5f: {  	_ =	shalt  }
0x60: {  	_ =	shalt  }
0x61: {  	_ =	shalt  }
0x62: {  	_ =	shalt  }
0x63: {  	_ =	shalt  }
0x64: {  	_ =	shalt  }
0x65: {  	_ =	shalt  }
0x66: {  	_ =	shalt  }
0x67: {  	_ =	shalt  }
0x68: {  	_ =	shalt  }
0x69: {  	_ =	shalt  }
0x6a: {  	_ =	shalt  }
0x6b: {  	_ =	shalt  }
0x6c: {  	_ =	shalt  }
0x6d: {  	_ =	shalt  }
0x6e: {  	_ =	shalt  }
0x6f: {  	_ =	shalt  }
0x70: {  	_ =	shalt  }
0x71: {  	_ =	shalt  }
0x72: {  	_ =	shalt  }
0x73: {  	_ =	shalt  }
0x74: {  	_ =	shalt  }
0x75: {  	_ =	shalt  }
0x76: {  	_ =	shalt  }
0x77: {  	_ =	shalt  }
0x78: {  	_ =	shalt  }
0x79: {  	_ =	shalt  }
0x7a: {  	_ =	shalt  }
0x7b: {  	_ =	shalt  }
0x7c: {  	_ =	shalt  }
0x7d: {  	_ =	shalt  }
0x7e: {  	_ =	shalt  }
0x7f: {  	_ =	shalt  }
0x80: {  	_ =	shalt  }
0x81: {  	_ =	shalt  }
0x82: {  	_ =	shalt  }
0x83: {  	_ =	shalt  }
0x84: {  	_ =	shalt  }
0x85: {  	_ =	shalt  }
0x86: {  	_ =	shalt  }
0x87: {  	_ =	shalt  }
.Lfunc_end0:
.L_simem_size_0:
called_computation_lowered:
.L_overlay_start_0:
0x88: {  	s2 =	sld [smem:$0x3FD9]  }
0x89: {  	s3 =	sld [smem:$0x3FFE];
	_ =	sdelay $0x1  }
0x8a: {  	s1 =	srdreg.scid  }
0x8b: {  	s0 =	sand.u32 $0x1, s1  }
0x8c: {  	s18 =	sshll.u32 s0, $0xA;
	s2 =	sadd.s32 s3, s2  }
0x8d: {  	s2 =	sadd.s32 s2, s18  }
0x8e: {  	[smem:$0x3FC6] =	sst s2  }
0x8f: {  	_ = 	snop  }
0x90: {  	s2 =	sld [smem:$0x3FC9]  }
0x91: {  	s19 =	sld [smem:$0x3FC8]  }
0x92: {  	s4 =	sld [smem:$0x3FD0];
	(tm) =	ssettm $0x1  }
0x93: {  	s5 =	sld [smem:$0x3FFB];
	_ =	sdelay $0x3  }
0x94: {  	_ =	strace s5  }
0x95: {  	s5 =	sld [smem:$0x3FFC];
	_ =	sdelay $0x3  }
0x96: {  	_ =	strace s5  }
0x97: {  	s5 =	sld [smem:$0x3FFD];
	_ =	sdelay $0x3  }
0x98: {  	_ =	strace s5  }
0x99: {  	_ =	strace $0x8FFFFFFF  }
0x9a: {  	s20 =	sld [smem:$0x3FDB];
	_ =	sdelay $0x1  }
0x9b: {  	s6 =	simm.s32 $_scs_section_size  }
0x9c: {  	s7 =	simm.s32 $_size__tile_overlayer_lowered;
	s8 =	simm.s32 $_tile_overlayer_lowered  }
0x9d: {  	s23 =	simm.s32 $0x1BFF;
	s22 =	sshll.u32 s8, $0x1;
	s5 =	sadd.s32 s6, s20  }
0x9e: {  	s9 =	simm.s32 $0x0;
	s21 =	sshll.u32 s7, $0x1;
	s7 =	sadd.s32 s22, s5  }
0x9f: {  	[timem:s9], [sflag:s23] =	dma.local [hbm:s7], s21  }
0xa0: {  	_ =	swait.ge [sflag:s23], s21  }
0xa1: {  	s6 =	ssub.s32 $0x0, s21;
	[sflag:s23] =	ssyncset.done $0x0  }
0xa2: {  	[sflag:s23] =	ssyncadd.s32 s6;
	_ =	sdelay $0x1  }
0xa3: {  	s24 =	simm.s32 $0x1B8B  }
0xa4: {  	_ =	swait.ge [sflag:s24], $0x1  }
0xa5: {  	[sflag:s24] =	ssyncset.done $0x0  }
0xa6: {  	s25 =	simm.s32 $0x1B8E;
	[sflag:s24] =	ssyncadd.s32 $0xFFFFFFFF  }
0xa7: {  	s26 =	simm.s32 $execute0_lowered;
	[smem:$0x3FD2] =	sst s25  }
0xa8: {  	s6 =	sshll.u32 s26, $0x1;
	_ =	strace $0x80000046;
	[dreg:$0x1] =	wrdreg $0xFFFFFFFF  }
0xa9: {  	s28 =	simm.s32 $_size_execute0_lowered;
	s5 =	sadd.s32 s5, s6;
	[dreg:$0x0] =	wrdreg $0x0  }
0xaa: {  	s6 =	sshll.u32 s28, $0x1;
	[dreg:$0x2] =	wrdreg s5  }
0xab: {  	[dreg:$0x3] =	wrdreg s6  }
0xac: {  	[dreg:$0x4] =	wrdreg $0xC0  }
0xad: {  	_ =	task [dreg:s9], $0x5FFFF  }
0xae: {  	[dreg:$0x1] =	wrdreg $0xFFFFFFFF  }
0xaf: {  	[dreg:$0x0] =	wrdreg $0x60  }
0xb0: {  	[dreg:$0x2] =	wrdreg s2  }
0xb1: {  	[dreg:$0x3] =	wrdreg s19  }
0xb2: {  	[dreg:$0x4] =	wrdreg s4  }
0xb3: {  	[dreg:$0x5] =	wrdreg $0x9  }
0xb4: {  	_ =	task.clear_ibuf [dreg:s9], $0x6FFFF;
	_ =	strace $0x90000046  }
0xb5: {  	s29 =	simm.s32 $0x9;
	_ =	strace $0x80000048  }
0xb6: {  	_ =	swait.ge [sflag:s29], $0x1  }
0xb7: {  	[sflag:s29] =	ssyncadd.s32 $0xFFFFFFFF  }
0xb8: {  	_ =	strace $0x90000048  }
0xb9: {  	_ =	sfence  }
0xba: {  	s30 =	sld [smem:$0x0];
	_ =	sdelay $0x2  }
0xbb: {  	s31 =	sshll.u32 s1, $0xD;
	s1 =	sshrl.u32 s1, $0x2  }
0xbc: {  	s3 =	sand.u32 $0x4000, s31;
	s1 =	sadd.s32 s1, s30  }
0xbd: {  	s0 =	sor.u32 s3, s0;
	s1 =	sshll.u32 s1, $0x11  }
0xbe: {  	s0 =	sor.u32 s1, s0  }
0xbf: {  	s0 =	sadd.s32 $0x8F2B, s0  }
0xc0: {  	[sflag:s0] =	ssyncadd.remote.s32 $0x1  }
0xc1: {  	_ =	sfence.sel $0xFFFF  }
0xc2: {  	[dreg:$0x0] =	wrdreg $0xFFFFFFFF;
	(pc) =	sbr.abs _section_cstart, $3  }
0xc3: {  	[dreg:$0x1] =	wrdreg $0xFFFFFFFF  }
0xc4: {  	_ =	task.clear_ibuf [dreg:s9], $0x2FFFF;
	_ =	strace $0x9FFFFFFF  }
0xc5: {  	(tm) =	ssettm $0x7FFFFFFF  }
tec
execute0_lowered:
.L_overlay_start_1:
0x0: {  	(tag) =	ssettag $0x1  }
0x1: {  	s1 =	rddreg [dreg:$0x0]  }
0x2: {  	s0 =	srdreg.scid;
	s2 =	rddreg [dreg:$0x1]  }
0x3: {  	s3 =	stileid.u32;
	s4 =	rddreg [dreg:$0x2]  }
0x4: {  	s29 =	simm.s32 $0x8200;
	s14 =	simm.s32 $0x1;
	s16 =	simm.s32 $0x2  }
0x5: {  	s17 =	simm.s32 $0x4;
	s30 =	simm.s32 $0x3A00;
	s31 =	simm.s32 $0x4200  }
0x6: {  	s8 =	simm.s32 $0x10200;
	s12 =	simm.s32 $0x10A00;
	s13 =	simm.s32 $0x11200  }
0x7: {  	s15 =	simm.s32 $0x11A00;
	s7 =	simm.s32 $0x13A00;
	s0 =	sand.u32 $0x1, s0  }
0x8: {  	s9 =	simm.s32 $0x14200;
	s5 =	sshll.u32 s3, $0xA;
	s6 =	sshll.u32 s0, $0x9  }
0x9: {  	s10 =	simm.s32 $0x14A00;
	s11 =	simm.s32 $0x15200;
	s5 =	sor.u32 s6, s5  }
0xa: {  	s28 =	simm.s32 $0x17A00;
	s3 =	simm.s32 $0x0;
	s6 =	sshrl.u32 s5, $0x3  }
0xb: {  	[smem:$0x7FF] =	sst s3;
	s5 =	sshll.u32 s5, $0x6;
	s2 =	sadd.s32 s2, s6  }
0xc: {  	_ =	strace $0x80000047;
	s18 =	sadd.s32 s4, s5;
	[dreg:$0x4] =	wrdreg s2  }
0xd: {  	s0 =	ssub.s32 $0x2, s0;
	s19 =	sadd.s32 $0x1000, s18;
	[dreg:$0xc] =	wrdreg s18  }
0xe: {  	s23 =	sshrl.u32 s0, $0x1;
	s20 =	sadd.s32 $0x2000, s18;
	[dreg:$0x5] =	wrdreg s19  }
0xf: {  	s0 =	ssub.s32 s0, s23;
	s21 =	sadd.s32 $0x3000, s18;
	[dreg:$0x6] =	wrdreg s20  }
0x10: {  	s23 =	simm.s32 $0x16200;
	s22 =	sadd.s32 $0x4000, s18;
	[dreg:$0x7] =	wrdreg s21  }
0x11: {  	s5 =	sadd.s32 $0x100, s1;
	s24 =	sadd.s32 $0x5000, s18;
	[dreg:$0x8] =	wrdreg s22  }
0x12: {  	s6 =	smax.u32 s0, $0x1;
	s25 =	sadd.s32 $0x6000, s18;
	[dreg:$0x9] =	wrdreg s24  }
0x13: {  	s0 =	simm.s32 $0x200;
	s26 =	sadd.s32 $0x7000, s18;
	[dreg:$0xa] =	wrdreg s25  }
0x14: {  	v2 =	vlaneseq.u32;
	s4 =	simm.s32 $0x13200;
	s18 =	simm.s32 $0x3;
	[dreg:$0xb] =	wrdreg s26  }
0x15: {  	vm0 =	vmmov $0xffff;
	v1 =	vshrl.u32 v2, $0x3;
	s19 =	simm.s32 $0x5;
	s20 =	simm.s32 $0x6;
	s24 =	simm.s32 $0x12200  }
0x16: {  	v0 =	vand.u32 $0x7, v2;
	v2 =	vor.u32 $0x8, v2;
	v1 =	vmul.u32 $0x8, v1;
	s22 =	simm.s32 $0x15A00;
	s25 =	simm.s32 $0x16A00;
	s26 =	simm.s32 $0x17200  }
.LBB2_1:
0x17: {  	s21 =	rddreg [dreg:$0x4];
	s2 =	simm.s32 $0x7  }
0x18: {  	[tilespmem:s3], [sflag:$0x7] =	stream.linear.gather [hbm4b:s21+s3], $0x200, $0x38;
	[tilespmem:$0x18200] =	vst v63  }
0x19: {  	_ =	swait.ge [sflag:s2], $0x200  }
0x1a: {  	[sflag:s2] =	ssyncset.done $0x0  }
0x1b: {  	[sflag:s2] =	ssyncadd.s32 $0xFFFFFE00  }
0x1c: {  	v3 =	vld [tilespmem:$0x0];
	_ =	sdelay $0x4  }
0x1d: {  	v4 =	vshll.u32 v3, $0x2  }
0x1e: {  	v3 =	vand.u32 $0x7, v3;
	v4 =	vand.u32 $0xFFFFFFE0, v4  }
0x1f: {  	v3 =	vor.u32 v3, v4  }
0x20: {  	v4 =	vperm.xlane v3, v0;
	_ =	sdelay $0x1  }
0x21: {  	v4 =	vadd.s32 v1, v4;
	_ =	sdelay $0x1  }
0x22: {  	v3 =	vperm.xlane v3, v2;
	_ =	sdelay $0x1  }
0x23: {  	v3 =	vadd.s32 v1, v3  }
0x24: {  	[tilespmem:s0], [sflag:$0x1] =	stream.indirect_vreg.gather [hbm4b:s1+s3], $0x80, v4, vm0, $0xb8;
	[tilespmem:$0x18200] =	vst v63  }
0x25: {  	s2 =	simm.s32 $0xA00  }
0x26: {  	[tilespmem:s2], [sflag:$0x1] =	stream.indirect_vreg.gather [hbm4b:s5+s3], $0x80, v4, vm0, $0xb8;
	[tilespmem:$0x18200] =	vst v63  }
0x27: {  	s21 =	simm.s32 $0x1200  }
0x28: {  	[tilespmem:s21], [sflag:$0x1] =	stream.indirect_vreg.gather [hbm4b:s1+s3], $0x80, v3, vm0, $0xb8;
	[tilespmem:$0x18200] =	vst v63  }
0x29: {  	s21 =	simm.s32 $0x1A00  }
0x2a: {  	[tilespmem:s21], [sflag:$0x1] =	stream.indirect_vreg.gather [hbm4b:s5+s3], $0x80, v3, vm0, $0xb8;
	[tilespmem:$0x18200] =	vst v63  }
0x2b: {  	v3 =	vld [tilespmem:$0x10];
	_ =	sdelay $0x4  }
0x2c: {  	v33 =	vshll.u32 v3, $0x2  }
0x2d: {  	v3 =	vand.u32 $0x7, v3;
	v4 =	vand.u32 $0xFFFFFFE0, v33  }
0x2e: {  	v3 =	vor.u32 v3, v4  }
0x2f: {  	v4 =	vperm.xlane v3, v0;
	_ =	sdelay $0x1  }
0x30: {  	v4 =	vadd.s32 v1, v4;
	_ =	sdelay $0x1  }
0x31: {  	v3 =	vperm.xlane v3, v2;
	_ =	sdelay $0x1  }
0x32: {  	s21 =	simm.s32 $0x2200;
	v3 =	vadd.s32 v1, v3  }
0x33: {  	[tilespmem:s21], [sflag:$0x1] =	stream.indirect_vreg.gather [hbm4b:s1+s3], $0x80, v4, vm0, $0xb8;
	[tilespmem:$0x18200] =	vst v63  }
0x34: {  	s21 =	simm.s32 $0x2A00  }
0x35: {  	[tilespmem:s21], [sflag:$0x1] =	stream.indirect_vreg.gather [hbm4b:s5+s3], $0x80, v4, vm0, $0xb8;
	[tilespmem:$0x18200] =	vst v63  }
0x36: {  	s21 =	simm.s32 $0x3200  }
0x37: {  	[tilespmem:s21], [sflag:$0x1] =	stream.indirect_vreg.gather [hbm4b:s1+s3], $0x80, v3, vm0, $0xb8;
	[tilespmem:$0x18200] =	vst v63  }
0x38: {  	_ = 	snop  }
0x39: {  	[tilespmem:s30], [sflag:$0x1] =	stream.indirect_vreg.gather [hbm4b:s5+s3], $0x80, v3, vm0, $0xb8;
	[tilespmem:$0x18200] =	vst v63  }
0x3a: {  	v3 =	vld [tilespmem:$0x20];
	_ =	sdelay $0x4  }
0x3b: {  	v34 =	vshll.u32 v3, $0x2  }
0x3c: {  	v3 =	vand.u32 $0x7, v3;
	v4 =	vand.u32 $0xFFFFFFE0, v34  }
0x3d: {  	v3 =	vor.u32 v3, v4  }
0x3e: {  	v4 =	vperm.xlane v3, v0;
	_ =	sdelay $0x1  }
0x3f: {  	v4 =	vadd.s32 v1, v4;
	_ =	sdelay $0x1  }
0x40: {  	v3 =	vperm.xlane v3, v2;
	_ =	sdelay $0x1  }
0x41: {  	v3 =	vadd.s32 v1, v3  }
0x42: {  	[tilespmem:s31], [sflag:$0x1] =	stream.indirect_vreg.gather [hbm4b:s1+s3], $0x80, v4, vm0, $0xb8;
	[tilespmem:$0x18200] =	vst v63  }
0x43: {  	s21 =	simm.s32 $0x4A00  }
0x44: {  	[tilespmem:s21], [sflag:$0x1] =	stream.indirect_vreg.gather [hbm4b:s5+s3], $0x80, v4, vm0, $0xb8;
	[tilespmem:$0x18200] =	vst v63  }
0x45: {  	s21 =	simm.s32 $0x5200  }
0x46: {  	[tilespmem:s21], [sflag:$0x1] =	stream.indirect_vreg.gather [hbm4b:s1+s3], $0x80, v3, vm0, $0xb8;
	[tilespmem:$0x18200] =	vst v63  }
0x47: {  	s21 =	simm.s32 $0x5A00  }
0x48: {  	[tilespmem:s21], [sflag:$0x1] =	stream.indirect_vreg.gather [hbm4b:s5+s3], $0x80, v3, vm0, $0xb8;
	[tilespmem:$0x18200] =	vst v63  }
0x49: {  	v3 =	vld [tilespmem:$0x30];
	_ =	sdelay $0x4  }
0x4a: {  	v35 =	vshll.u32 v3, $0x2  }
0x4b: {  	v3 =	vand.u32 $0x7, v3;
	v4 =	vand.u32 $0xFFFFFFE0, v35  }
0x4c: {  	v3 =	vor.u32 v3, v4  }
0x4d: {  	v4 =	vperm.xlane v3, v0;
	_ =	sdelay $0x1  }
0x4e: {  	v4 =	vadd.s32 v1, v4;
	_ =	sdelay $0x1  }
0x4f: {  	v3 =	vperm.xlane v3, v2;
	_ =	sdelay $0x1  }
0x50: {  	s21 =	simm.s32 $0x6200;
	v3 =	vadd.s32 v1, v3  }
0x51: {  	[tilespmem:s21], [sflag:$0x1] =	stream.indirect_vreg.gather [hbm4b:s1+s3], $0x80, v4, vm0, $0xb8;
	[tilespmem:$0x18200] =	vst v63  }
0x52: {  	s21 =	simm.s32 $0x6A00  }
0x53: {  	[tilespmem:s21], [sflag:$0x1] =	stream.indirect_vreg.gather [hbm4b:s5+s3], $0x80, v4, vm0, $0xb8;
	[tilespmem:$0x18200] =	vst v63  }
0x54: {  	s21 =	simm.s32 $0x7200  }
0x55: {  	[tilespmem:s21], [sflag:$0x1] =	stream.indirect_vreg.gather [hbm4b:s1+s3], $0x80, v3, vm0, $0xb8;
	[tilespmem:$0x18200] =	vst v63  }
0x56: {  	s21 =	simm.s32 $0x7A00  }
0x57: {  	[tilespmem:s21], [sflag:$0x1] =	stream.indirect_vreg.gather [hbm4b:s5+s3], $0x80, v3, vm0, $0xb8;
	[tilespmem:$0x18200] =	vst v63  }
0x58: {  	v3 =	vld [tilespmem:$0x40];
	_ =	sdelay $0x4  }
0x59: {  	v36 =	vshll.u32 v3, $0x2  }
0x5a: {  	v3 =	vand.u32 $0x7, v3;
	v4 =	vand.u32 $0xFFFFFFE0, v36  }
0x5b: {  	v3 =	vor.u32 v3, v4  }
0x5c: {  	v4 =	vperm.xlane v3, v0;
	_ =	sdelay $0x1  }
0x5d: {  	v4 =	vadd.s32 v1, v4;
	_ =	sdelay $0x1  }
0x5e: {  	v3 =	vperm.xlane v3, v2;
	_ =	sdelay $0x1  }
0x5f: {  	v3 =	vadd.s32 v1, v3  }
0x60: {  	[tilespmem:s29], [sflag:$0x2] =	stream.indirect_vreg.gather [hbm4b:s1+s3], $0x80, v4, vm0, $0xb8;
	[tilespmem:$0x18200] =	vst v63  }
0x61: {  	s21 =	simm.s32 $0x8A00  }
0x62: {  	[tilespmem:s21], [sflag:$0x2] =	stream.indirect_vreg.gather [hbm4b:s5+s3], $0x80, v4, vm0, $0xb8;
	[tilespmem:$0x18200] =	vst v63  }
0x63: {  	s21 =	simm.s32 $0x9200  }
0x64: {  	[tilespmem:s21], [sflag:$0x2] =	stream.indirect_vreg.gather [hbm4b:s1+s3], $0x80, v3, vm0, $0xb8;
	[tilespmem:$0x18200] =	vst v63  }
0x65: {  	s21 =	simm.s32 $0x9A00  }
0x66: {  	[tilespmem:s21], [sflag:$0x2] =	stream.indirect_vreg.gather [hbm4b:s5+s3], $0x80, v3, vm0, $0xb8;
	[tilespmem:$0x18200] =	vst v63  }
0x67: {  	v3 =	vld [tilespmem:$0x50];
	_ =	sdelay $0x4  }
0x68: {  	v37 =	vshll.u32 v3, $0x2  }
0x69: {  	v3 =	vand.u32 $0x7, v3;
	v4 =	vand.u32 $0xFFFFFFE0, v37  }
0x6a: {  	v3 =	vor.u32 v3, v4  }
0x6b: {  	v4 =	vperm.xlane v3, v0;
	_ =	sdelay $0x1  }
0x6c: {  	v4 =	vadd.s32 v1, v4;
	_ =	sdelay $0x1  }
0x6d: {  	v3 =	vperm.xlane v3, v2;
	_ =	sdelay $0x1  }
0x6e: {  	s21 =	simm.s32 $0xA200;
	v3 =	vadd.s32 v1, v3  }
0x6f: {  	[tilespmem:s21], [sflag:$0x2] =	stream.indirect_vreg.gather [hbm4b:s1+s3], $0x80, v4, vm0, $0xb8;
	[tilespmem:$0x18200] =	vst v63  }
0x70: {  	s21 =	simm.s32 $0xAA00  }
0x71: {  	[tilespmem:s21], [sflag:$0x2] =	stream.indirect_vreg.gather [hbm4b:s5+s3], $0x80, v4, vm0, $0xb8;
	[tilespmem:$0x18200] =	vst v63  }
0x72: {  	s21 =	simm.s32 $0xB200  }
0x73: {  	[tilespmem:s21], [sflag:$0x2] =	stream.indirect_vreg.gather [hbm4b:s1+s3], $0x80, v3, vm0, $0xb8;
	[tilespmem:$0x18200] =	vst v63  }
0x74: {  	s21 =	simm.s32 $0xBA00  }
0x75: {  	[tilespmem:s21], [sflag:$0x2] =	stream.indirect_vreg.gather [hbm4b:s5+s3], $0x80, v3, vm0, $0xb8;
	[tilespmem:$0x18200] =	vst v63  }
0x76: {  	v3 =	vld [tilespmem:$0x60];
	_ =	sdelay $0x4  }
0x77: {  	v38 =	vshll.u32 v3, $0x2  }
0x78: {  	v3 =	vand.u32 $0x7, v3;
	v4 =	vand.u32 $0xFFFFFFE0, v38  }
0x79: {  	v3 =	vor.u32 v3, v4  }
0x7a: {  	v4 =	vperm.xlane v3, v0;
	_ =	sdelay $0x1  }
0x7b: {  	v4 =	vadd.s32 v1, v4;
	_ =	sdelay $0x1  }
0x7c: {  	v3 =	vperm.xlane v3, v2;
	_ =	sdelay $0x1  }
0x7d: {  	s21 =	simm.s32 $0xC200;
	v3 =	vadd.s32 v1, v3  }
0x7e: {  	[tilespmem:s21], [sflag:$0x2] =	stream.indirect_vreg.gather [hbm4b:s1+s3], $0x80, v4, vm0, $0xb8;
	[tilespmem:$0x18200] =	vst v63  }
0x7f: {  	s21 =	simm.s32 $0xCA00  }
0x80: {  	[tilespmem:s21], [sflag:$0x2] =	stream.indirect_vreg.gather [hbm4b:s5+s3], $0x80, v4, vm0, $0xb8;
	[tilespmem:$0x18200] =	vst v63  }
0x81: {  	s21 =	simm.s32 $0xD200  }
0x82: {  	[tilespmem:s21], [sflag:$0x2] =	stream.indirect_vreg.gather [hbm4b:s1+s3], $0x80, v3, vm0, $0xb8;
	[tilespmem:$0x18200] =	vst v63  }
0x83: {  	s21 =	simm.s32 $0xDA00  }
0x84: {  	[tilespmem:s21], [sflag:$0x2] =	stream.indirect_vreg.gather [hbm4b:s5+s3], $0x80, v3, vm0, $0xb8;
	[tilespmem:$0x18200] =	vst v63  }
0x85: {  	v3 =	vld [tilespmem:$0x70];
	_ =	sdelay $0x4  }
0x86: {  	v39 =	vshll.u32 v3, $0x2  }
0x87: {  	v3 =	vand.u32 $0x7, v3;
	v4 =	vand.u32 $0xFFFFFFE0, v39  }
0x88: {  	v3 =	vor.u32 v3, v4  }
0x89: {  	v4 =	vperm.xlane v3, v0;
	_ =	sdelay $0x1  }
0x8a: {  	v4 =	vadd.s32 v1, v4;
	_ =	sdelay $0x1  }
0x8b: {  	v3 =	vperm.xlane v3, v2;
	_ =	sdelay $0x1  }
0x8c: {  	s21 =	simm.s32 $0xE200;
	v3 =	vadd.s32 v1, v3  }
0x8d: {  	[tilespmem:s21], [sflag:$0x2] =	stream.indirect_vreg.gather [hbm4b:s1+s3], $0x80, v4, vm0, $0xb8;
	[tilespmem:$0x18200] =	vst v63  }
0x8e: {  	s21 =	simm.s32 $0xEA00  }
0x8f: {  	[tilespmem:s21], [sflag:$0x2] =	stream.indirect_vreg.gather [hbm4b:s5+s3], $0x80, v4, vm0, $0xb8;
	[tilespmem:$0x18200] =	vst v63  }
0x90: {  	s21 =	simm.s32 $0xF200  }
0x91: {  	[tilespmem:s21], [sflag:$0x2] =	stream.indirect_vreg.gather [hbm4b:s1+s3], $0x80, v3, vm0, $0xb8;
	[tilespmem:$0x18200] =	vst v63  }
0x92: {  	s21 =	simm.s32 $0xFA00  }
0x93: {  	[tilespmem:s21], [sflag:$0x2] =	stream.indirect_vreg.gather [hbm4b:s5+s3], $0x80, v3, vm0, $0xb8;
	[tilespmem:$0x18200] =	vst v63  }
0x94: {  	_ =	swait.ge [sflag:s14], $0x8000  }
0x95: {  	[sflag:s14] =	ssyncset.done $0x0  }
0x96: {  	s2 =	rddreg [dreg:$0xc];
	[sflag:s14] =	ssyncadd.s32 $0xFFFF8000  }
0x97: {  	[hbm4b:s2+s3] =	stream.linear.scatter [tilespmem:s0], [sflag:$0x4], $0x8000, $0x38;
	[tilespmem:$0x18200] =	vst v63  }
0x98: {  	v3 =	vld [tilespmem:$0x80];
	_ =	sdelay $0x4  }
0x99: {  	v40 =	vshll.u32 v3, $0x2  }
0x9a: {  	v3 =	vand.u32 $0x7, v3;
	v4 =	vand.u32 $0xFFFFFFE0, v40  }
0x9b: {  	v3 =	vor.u32 v3, v4  }
0x9c: {  	v4 =	vperm.xlane v3, v0;
	_ =	sdelay $0x1  }
0x9d: {  	v4 =	vadd.s32 v1, v4;
	_ =	sdelay $0x1  }
0x9e: {  	v3 =	vperm.xlane v3, v2;
	_ =	sdelay $0x1  }
0x9f: {  	v3 =	vadd.s32 v1, v3  }
0xa0: {  	[tilespmem:s8], [sflag:$0x3] =	stream.indirect_vreg.gather [hbm4b:s1+s3], $0x80, v4, vm0, $0xb8;
	[tilespmem:$0x18200] =	vst v63  }
0xa1: {  	_ = 	snop  }
0xa2: {  	[tilespmem:s12], [sflag:$0x3] =	stream.indirect_vreg.gather [hbm4b:s5+s3], $0x80, v4, vm0, $0xb8;
	[tilespmem:$0x18200] =	vst v63  }
0xa3: {  	_ = 	snop  }
0xa4: {  	[tilespmem:s13], [sflag:$0x3] =	stream.indirect_vreg.gather [hbm4b:s1+s3], $0x80, v3, vm0, $0xb8;
	[tilespmem:$0x18200] =	vst v63  }
0xa5: {  	_ = 	snop  }
0xa6: {  	[tilespmem:s15], [sflag:$0x3] =	stream.indirect_vreg.gather [hbm4b:s5+s3], $0x80, v3, vm0, $0xb8;
	[tilespmem:$0x18200] =	vst v63  }
0xa7: {  	v3 =	vld [tilespmem:$0x90];
	_ =	sdelay $0x4  }
0xa8: {  	v41 =	vshll.u32 v3, $0x2  }
0xa9: {  	v3 =	vand.u32 $0x7, v3;
	v4 =	vand.u32 $0xFFFFFFE0, v41  }
0xaa: {  	v3 =	vor.u32 v3, v4  }
0xab: {  	v4 =	vperm.xlane v3, v0;
	_ =	sdelay $0x1  }
0xac: {  	v4 =	vadd.s32 v1, v4;
	_ =	sdelay $0x1  }
0xad: {  	v3 =	vperm.xlane v3, v2;
	_ =	sdelay $0x1  }
0xae: {  	v3 =	vadd.s32 v1, v3  }
0xaf: {  	[tilespmem:s24], [sflag:$0x3] =	stream.indirect_vreg.gather [hbm4b:s1+s3], $0x80, v4, vm0, $0xb8;
	[tilespmem:$0x18200] =	vst v63  }
0xb0: {  	s2 =	simm.s32 $0x12A00  }
0xb1: {  	[tilespmem:s2], [sflag:$0x3] =	stream.indirect_vreg.gather [hbm4b:s5+s3], $0x80, v4, vm0, $0xb8;
	[tilespmem:$0x18200] =	vst v63  }
0xb2: {  	_ = 	snop  }
0xb3: {  	[tilespmem:s4], [sflag:$0x3] =	stream.indirect_vreg.gather [hbm4b:s1+s3], $0x80, v3, vm0, $0xb8;
	[tilespmem:$0x18200] =	vst v63  }
0xb4: {  	_ = 	snop  }
0xb5: {  	[tilespmem:s7], [sflag:$0x3] =	stream.indirect_vreg.gather [hbm4b:s5+s3], $0x80, v3, vm0, $0xb8;
	[tilespmem:$0x18200] =	vst v63  }
0xb6: {  	v3 =	vld [tilespmem:$0xA0];
	_ =	sdelay $0x4  }
0xb7: {  	v42 =	vshll.u32 v3, $0x2  }
0xb8: {  	v3 =	vand.u32 $0x7, v3;
	v4 =	vand.u32 $0xFFFFFFE0, v42  }
0xb9: {  	v3 =	vor.u32 v3, v4  }
0xba: {  	v4 =	vperm.xlane v3, v0;
	_ =	sdelay $0x1  }
0xbb: {  	v4 =	vadd.s32 v1, v4;
	_ =	sdelay $0x1  }
0xbc: {  	v3 =	vperm.xlane v3, v2;
	_ =	sdelay $0x1  }
0xbd: {  	v3 =	vadd.s32 v1, v3  }
0xbe: {  	[tilespmem:s9], [sflag:$0x3] =	stream.indirect_vreg.gather [hbm4b:s1+s3], $0x80, v4, vm0, $0xb8;
	[tilespmem:$0x18200] =	vst v63  }
0xbf: {  	_ = 	snop  }
0xc0: {  	[tilespmem:s10], [sflag:$0x3] =	stream.indirect_vreg.gather [hbm4b:s5+s3], $0x80, v4, vm0, $0xb8;
	[tilespmem:$0x18200] =	vst v63  }
0xc1: {  	_ = 	snop  }
0xc2: {  	[tilespmem:s11], [sflag:$0x3] =	stream.indirect_vreg.gather [hbm4b:s1+s3], $0x80, v3, vm0, $0xb8;
	[tilespmem:$0x18200] =	vst v63  }
0xc3: {  	_ = 	snop  }
0xc4: {  	[tilespmem:s22], [sflag:$0x3] =	stream.indirect_vreg.gather [hbm4b:s5+s3], $0x80, v3, vm0, $0xb8;
	[tilespmem:$0x18200] =	vst v63  }
0xc5: {  	v3 =	vld [tilespmem:$0xB0];
	_ =	sdelay $0x4  }
0xc6: {  	v43 =	vshll.u32 v3, $0x2  }
0xc7: {  	v3 =	vand.u32 $0x7, v3;
	v4 =	vand.u32 $0xFFFFFFE0, v43  }
0xc8: {  	v3 =	vor.u32 v3, v4  }
0xc9: {  	v4 =	vperm.xlane v3, v0;
	_ =	sdelay $0x1  }
0xca: {  	v4 =	vadd.s32 v1, v4;
	_ =	sdelay $0x1  }
0xcb: {  	v3 =	vperm.xlane v3, v2;
	_ =	sdelay $0x1  }
0xcc: {  	v3 =	vadd.s32 v1, v3  }
0xcd: {  	[tilespmem:s23], [sflag:$0x3] =	stream.indirect_vreg.gather [hbm4b:s1+s3], $0x80, v4, vm0, $0xb8;
	[tilespmem:$0x18200] =	vst v63  }
0xce: {  	_ = 	snop  }
0xcf: {  	[tilespmem:s25], [sflag:$0x3] =	stream.indirect_vreg.gather [hbm4b:s5+s3], $0x80, v4, vm0, $0xb8;
	[tilespmem:$0x18200] =	vst v63  }
0xd0: {  	_ = 	snop  }
0xd1: {  	[tilespmem:s26], [sflag:$0x3] =	stream.indirect_vreg.gather [hbm4b:s1+s3], $0x80, v3, vm0, $0xb8;
	[tilespmem:$0x18200] =	vst v63  }
0xd2: {  	_ = 	snop  }
0xd3: {  	[tilespmem:s28], [sflag:$0x3] =	stream.indirect_vreg.gather [hbm4b:s5+s3], $0x80, v3, vm0, $0xb8;
	[tilespmem:$0x18200] =	vst v63  }
0xd4: {  	_ =	swait.ge [sflag:s16], $0x8000  }
0xd5: {  	[sflag:s16] =	ssyncset.done $0x0  }
0xd6: {  	s21 =	rddreg [dreg:$0x5];
	[sflag:s16] =	ssyncadd.s32 $0xFFFF8000  }
0xd7: {  	[hbm4b:s21+s3] =	stream.linear.scatter [tilespmem:s29], [sflag:$0x5], $0x8000, $0x38;
	[tilespmem:$0x18200] =	vst v63  }
0xd8: {  	_ =	swait.ge [sflag:s17], $0x8000  }
0xd9: {  	[sflag:s17] =	ssyncset.done $0x0  }
0xda: {  	[sflag:s17] =	ssyncadd.s32 $0xFFFF8000  }
0xdb: {  	v3 =	vld [tilespmem:$0xC0];
	_ =	sdelay $0x4  }
0xdc: {  	v44 =	vshll.u32 v3, $0x2  }
0xdd: {  	v3 =	vand.u32 $0x7, v3;
	v4 =	vand.u32 $0xFFFFFFE0, v44  }
0xde: {  	v3 =	vor.u32 v3, v4  }
0xdf: {  	v4 =	vperm.xlane v3, v0;
	_ =	sdelay $0x1  }
0xe0: {  	v4 =	vadd.s32 v1, v4;
	_ =	sdelay $0x1  }
0xe1: {  	v3 =	vperm.xlane v3, v2;
	_ =	sdelay $0x1  }
0xe2: {  	v3 =	vadd.s32 v1, v3  }
0xe3: {  	[tilespmem:s0], [sflag:$0x1] =	stream.indirect_vreg.gather [hbm4b:s1+s3], $0x80, v4, vm0, $0xb8;
	[tilespmem:$0x18200] =	vst v63  }
0xe4: {  	s21 =	simm.s32 $0xA00  }
0xe5: {  	[tilespmem:s21], [sflag:$0x1] =	stream.indirect_vreg.gather [hbm4b:s5+s3], $0x80, v4, vm0, $0xb8;
	[tilespmem:$0x18200] =	vst v63  }
0xe6: {  	s21 =	simm.s32 $0x1200  }
0xe7: {  	[tilespmem:s21], [sflag:$0x1] =	stream.indirect_vreg.gather [hbm4b:s1+s3], $0x80, v3, vm0, $0xb8;
	[tilespmem:$0x18200] =	vst v63  }
0xe8: {  	s21 =	simm.s32 $0x1A00  }
0xe9: {  	[tilespmem:s21], [sflag:$0x1] =	stream.indirect_vreg.gather [hbm4b:s5+s3], $0x80, v3, vm0, $0xb8;
	[tilespmem:$0x18200] =	vst v63  }
0xea: {  	v3 =	vld [tilespmem:$0xD0];
	_ =	sdelay $0x4  }
0xeb: {  	v45 =	vshll.u32 v3, $0x2  }
0xec: {  	v3 =	vand.u32 $0x7, v3;
	v4 =	vand.u32 $0xFFFFFFE0, v45  }
0xed: {  	v3 =	vor.u32 v3, v4  }
0xee: {  	v4 =	vperm.xlane v3, v0;
	_ =	sdelay $0x1  }
0xef: {  	v4 =	vadd.s32 v1, v4;
	_ =	sdelay $0x1  }
0xf0: {  	v3 =	vperm.xlane v3, v2;
	_ =	sdelay $0x1  }
0xf1: {  	s21 =	simm.s32 $0x2200;
	v3 =	vadd.s32 v1, v3  }
0xf2: {  	[tilespmem:s21], [sflag:$0x1] =	stream.indirect_vreg.gather [hbm4b:s1+s3], $0x80, v4, vm0, $0xb8;
	[tilespmem:$0x18200] =	vst v63  }
0xf3: {  	s21 =	simm.s32 $0x2A00  }
0xf4: {  	[tilespmem:s21], [sflag:$0x1] =	stream.indirect_vreg.gather [hbm4b:s5+s3], $0x80, v4, vm0, $0xb8;
	[tilespmem:$0x18200] =	vst v63  }
0xf5: {  	s21 =	simm.s32 $0x3200  }
0xf6: {  	[tilespmem:s21], [sflag:$0x1] =	stream.indirect_vreg.gather [hbm4b:s1+s3], $0x80, v3, vm0, $0xb8;
	[tilespmem:$0x18200] =	vst v63  }
0xf7: {  	_ = 	snop  }
0xf8: {  	[tilespmem:s30], [sflag:$0x1] =	stream.indirect_vreg.gather [hbm4b:s5+s3], $0x80, v3, vm0, $0xb8;
	[tilespmem:$0x18200] =	vst v63  }
0xf9: {  	v3 =	vld [tilespmem:$0xE0];
	_ =	sdelay $0x4  }
0xfa: {  	v46 =	vshll.u32 v3, $0x2  }
0xfb: {  	v3 =	vand.u32 $0x7, v3;
	v4 =	vand.u32 $0xFFFFFFE0, v46  }
0xfc: {  	v3 =	vor.u32 v3, v4  }
0xfd: {  	v4 =	vperm.xlane v3, v0;
	_ =	sdelay $0x1  }
0xfe: {  	v4 =	vadd.s32 v1, v4;
	_ =	sdelay $0x1  }
0xff: {  	v3 =	vperm.xlane v3, v2;
	_ =	sdelay $0x1  }
0x100: {  	v3 =	vadd.s32 v1, v3  }
0x101: {  	[tilespmem:s31], [sflag:$0x1] =	stream.indirect_vreg.gather [hbm4b:s1+s3], $0x80, v4, vm0, $0xb8;
	[tilespmem:$0x18200] =	vst v63  }
0x102: {  	s21 =	simm.s32 $0x4A00  }
0x103: {  	[tilespmem:s21], [sflag:$0x1] =	stream.indirect_vreg.gather [hbm4b:s5+s3], $0x80, v4, vm0, $0xb8;
	[tilespmem:$0x18200] =	vst v63  }
0x104: {  	s21 =	simm.s32 $0x5200  }
0x105: {  	[tilespmem:s21], [sflag:$0x1] =	stream.indirect_vreg.gather [hbm4b:s1+s3], $0x80, v3, vm0, $0xb8;
	[tilespmem:$0x18200] =	vst v63  }
0x106: {  	s21 =	simm.s32 $0x5A00  }
0x107: {  	[tilespmem:s21], [sflag:$0x1] =	stream.indirect_vreg.gather [hbm4b:s5+s3], $0x80, v3, vm0, $0xb8;
	[tilespmem:$0x18200] =	vst v63  }
0x108: {  	v3 =	vld [tilespmem:$0xF0];
	_ =	sdelay $0x4  }
0x109: {  	v47 =	vshll.u32 v3, $0x2  }
0x10a: {  	v3 =	vand.u32 $0x7, v3;
	v4 =	vand.u32 $0xFFFFFFE0, v47  }
0x10b: {  	v3 =	vor.u32 v3, v4  }
0x10c: {  	v4 =	vperm.xlane v3, v0;
	_ =	sdelay $0x1  }
0x10d: {  	v4 =	vadd.s32 v1, v4;
	_ =	sdelay $0x1  }
0x10e: {  	v3 =	vperm.xlane v3, v2;
	_ =	sdelay $0x1  }
0x10f: {  	s21 =	simm.s32 $0x6200;
	v3 =	vadd.s32 v1, v3  }
0x110: {  	[tilespmem:s21], [sflag:$0x1] =	stream.indirect_vreg.gather [hbm4b:s1+s3], $0x80, v4, vm0, $0xb8;
	[tilespmem:$0x18200] =	vst v63  }
0x111: {  	s21 =	simm.s32 $0x6A00  }
0x112: {  	[tilespmem:s21], [sflag:$0x1] =	stream.indirect_vreg.gather [hbm4b:s5+s3], $0x80, v4, vm0, $0xb8;
	[tilespmem:$0x18200] =	vst v63  }
0x113: {  	s21 =	simm.s32 $0x7200  }
0x114: {  	[tilespmem:s21], [sflag:$0x1] =	stream.indirect_vreg.gather [hbm4b:s1+s3], $0x80, v3, vm0, $0xb8;
	[tilespmem:$0x18200] =	vst v63  }
0x115: {  	s21 =	simm.s32 $0x7A00  }
0x116: {  	[tilespmem:s21], [sflag:$0x1] =	stream.indirect_vreg.gather [hbm4b:s5+s3], $0x80, v3, vm0, $0xb8;
	[tilespmem:$0x18200] =	vst v63  }
0x117: {  	_ =	swait.ge [sflag:s18], $0x8000  }
0x118: {  	[sflag:s18] =	ssyncset.done $0x0  }
0x119: {  	s21 =	rddreg [dreg:$0x6];
	[sflag:s18] =	ssyncadd.s32 $0xFFFF8000  }
0x11a: {  	[hbm4b:s21+s3] =	stream.linear.scatter [tilespmem:s8], [sflag:$0x6], $0x8000, $0x38;
	[tilespmem:$0x18200] =	vst v63  }
0x11b: {  	_ =	swait.ge [sflag:s19], $0x8000  }
0x11c: {  	[sflag:s19] =	ssyncset.done $0x0  }
0x11d: {  	[sflag:s19] =	ssyncadd.s32 $0xFFFF8000  }
0x11e: {  	v3 =	vld [tilespmem:$0x100];
	_ =	sdelay $0x4  }
0x11f: {  	v48 =	vshll.u32 v3, $0x2  }
0x120: {  	v3 =	vand.u32 $0x7, v3;
	v4 =	vand.u32 $0xFFFFFFE0, v48  }
0x121: {  	v3 =	vor.u32 v3, v4  }
0x122: {  	v4 =	vperm.xlane v3, v0;
	_ =	sdelay $0x1  }
0x123: {  	v4 =	vadd.s32 v1, v4;
	_ =	sdelay $0x1  }
0x124: {  	v3 =	vperm.xlane v3, v2;
	_ =	sdelay $0x1  }
0x125: {  	v3 =	vadd.s32 v1, v3  }
0x126: {  	[tilespmem:s29], [sflag:$0x2] =	stream.indirect_vreg.gather [hbm4b:s1+s3], $0x80, v4, vm0, $0xb8;
	[tilespmem:$0x18200] =	vst v63  }
0x127: {  	s21 =	simm.s32 $0x8A00  }
0x128: {  	[tilespmem:s21], [sflag:$0x2] =	stream.indirect_vreg.gather [hbm4b:s5+s3], $0x80, v4, vm0, $0xb8;
	[tilespmem:$0x18200] =	vst v63  }
0x129: {  	s21 =	simm.s32 $0x9200  }
0x12a: {  	[tilespmem:s21], [sflag:$0x2] =	stream.indirect_vreg.gather [hbm4b:s1+s3], $0x80, v3, vm0, $0xb8;
	[tilespmem:$0x18200] =	vst v63  }
0x12b: {  	s21 =	simm.s32 $0x9A00  }
0x12c: {  	[tilespmem:s21], [sflag:$0x2] =	stream.indirect_vreg.gather [hbm4b:s5+s3], $0x80, v3, vm0, $0xb8;
	[tilespmem:$0x18200] =	vst v63  }
0x12d: {  	v3 =	vld [tilespmem:$0x110];
	_ =	sdelay $0x4  }
0x12e: {  	v49 =	vshll.u32 v3, $0x2  }
0x12f: {  	v3 =	vand.u32 $0x7, v3;
	v4 =	vand.u32 $0xFFFFFFE0, v49  }
0x130: {  	v3 =	vor.u32 v3, v4  }
0x131: {  	v4 =	vperm.xlane v3, v0;
	_ =	sdelay $0x1  }
0x132: {  	v4 =	vadd.s32 v1, v4;
	_ =	sdelay $0x1  }
0x133: {  	v3 =	vperm.xlane v3, v2;
	_ =	sdelay $0x1  }
0x134: {  	s21 =	simm.s32 $0xA200;
	v3 =	vadd.s32 v1, v3  }
0x135: {  	[tilespmem:s21], [sflag:$0x2] =	stream.indirect_vreg.gather [hbm4b:s1+s3], $0x80, v4, vm0, $0xb8;
	[tilespmem:$0x18200] =	vst v63  }
0x136: {  	s21 =	simm.s32 $0xAA00  }
0x137: {  	[tilespmem:s21], [sflag:$0x2] =	stream.indirect_vreg.gather [hbm4b:s5+s3], $0x80, v4, vm0, $0xb8;
	[tilespmem:$0x18200] =	vst v63  }
0x138: {  	s21 =	simm.s32 $0xB200  }
0x139: {  	[tilespmem:s21], [sflag:$0x2] =	stream.indirect_vreg.gather [hbm4b:s1+s3], $0x80, v3, vm0, $0xb8;
	[tilespmem:$0x18200] =	vst v63  }
0x13a: {  	s21 =	simm.s32 $0xBA00  }
0x13b: {  	[tilespmem:s21], [sflag:$0x2] =	stream.indirect_vreg.gather [hbm4b:s5+s3], $0x80, v3, vm0, $0xb8;
	[tilespmem:$0x18200] =	vst v63  }
0x13c: {  	v3 =	vld [tilespmem:$0x120];
	_ =	sdelay $0x4  }
0x13d: {  	v50 =	vshll.u32 v3, $0x2  }
0x13e: {  	v3 =	vand.u32 $0x7, v3;
	v4 =	vand.u32 $0xFFFFFFE0, v50  }
0x13f: {  	v3 =	vor.u32 v3, v4  }
0x140: {  	v4 =	vperm.xlane v3, v0;
	_ =	sdelay $0x1  }
0x141: {  	v4 =	vadd.s32 v1, v4;
	_ =	sdelay $0x1  }
0x142: {  	v3 =	vperm.xlane v3, v2;
	_ =	sdelay $0x1  }
0x143: {  	s21 =	simm.s32 $0xC200;
	v3 =	vadd.s32 v1, v3  }
0x144: {  	[tilespmem:s21], [sflag:$0x2] =	stream.indirect_vreg.gather [hbm4b:s1+s3], $0x80, v4, vm0, $0xb8;
	[tilespmem:$0x18200] =	vst v63  }
0x145: {  	s21 =	simm.s32 $0xCA00  }
0x146: {  	[tilespmem:s21], [sflag:$0x2] =	stream.indirect_vreg.gather [hbm4b:s5+s3], $0x80, v4, vm0, $0xb8;
	[tilespmem:$0x18200] =	vst v63  }
0x147: {  	s21 =	simm.s32 $0xD200  }
0x148: {  	[tilespmem:s21], [sflag:$0x2] =	stream.indirect_vreg.gather [hbm4b:s1+s3], $0x80, v3, vm0, $0xb8;
	[tilespmem:$0x18200] =	vst v63  }
0x149: {  	s21 =	simm.s32 $0xDA00  }
0x14a: {  	[tilespmem:s21], [sflag:$0x2] =	stream.indirect_vreg.gather [hbm4b:s5+s3], $0x80, v3, vm0, $0xb8;
	[tilespmem:$0x18200] =	vst v63  }
0x14b: {  	v3 =	vld [tilespmem:$0x130];
	_ =	sdelay $0x4  }
0x14c: {  	v51 =	vshll.u32 v3, $0x2  }
0x14d: {  	v3 =	vand.u32 $0x7, v3;
	v4 =	vand.u32 $0xFFFFFFE0, v51  }
0x14e: {  	v3 =	vor.u32 v3, v4  }
0x14f: {  	v4 =	vperm.xlane v3, v0;
	_ =	sdelay $0x1  }
0x150: {  	v4 =	vadd.s32 v1, v4;
	_ =	sdelay $0x1  }
0x151: {  	v3 =	vperm.xlane v3, v2;
	_ =	sdelay $0x1  }
0x152: {  	s21 =	simm.s32 $0xE200;
	v3 =	vadd.s32 v1, v3  }
0x153: {  	[tilespmem:s21], [sflag:$0x2] =	stream.indirect_vreg.gather [hbm4b:s1+s3], $0x80, v4, vm0, $0xb8;
	[tilespmem:$0x18200] =	vst v63  }
0x154: {  	s21 =	simm.s32 $0xEA00  }
0x155: {  	[tilespmem:s21], [sflag:$0x2] =	stream.indirect_vreg.gather [hbm4b:s5+s3], $0x80, v4, vm0, $0xb8;
	[tilespmem:$0x18200] =	vst v63  }
0x156: {  	s21 =	simm.s32 $0xF200  }
0x157: {  	[tilespmem:s21], [sflag:$0x2] =	stream.indirect_vreg.gather [hbm4b:s1+s3], $0x80, v3, vm0, $0xb8;
	[tilespmem:$0x18200] =	vst v63  }
0x158: {  	s21 =	simm.s32 $0xFA00  }
0x159: {  	[tilespmem:s21], [sflag:$0x2] =	stream.indirect_vreg.gather [hbm4b:s5+s3], $0x80, v3, vm0, $0xb8;
	[tilespmem:$0x18200] =	vst v63  }
0x15a: {  	_ =	swait.ge [sflag:s14], $0x8000  }
0x15b: {  	[sflag:s14] =	ssyncset.done $0x0  }
0x15c: {  	s21 =	rddreg [dreg:$0x7];
	[sflag:s14] =	ssyncadd.s32 $0xFFFF8000  }
0x15d: {  	[hbm4b:s21+s3] =	stream.linear.scatter [tilespmem:s0], [sflag:$0x4], $0x8000, $0x38;
	[tilespmem:$0x18200] =	vst v63  }
0x15e: {  	_ =	swait.ge [sflag:s20], $0x8000  }
0x15f: {  	[sflag:s20] =	ssyncset.done $0x0  }
0x160: {  	[sflag:s20] =	ssyncadd.s32 $0xFFFF8000  }
0x161: {  	v3 =	vld [tilespmem:$0x140];
	_ =	sdelay $0x4  }
0x162: {  	v52 =	vshll.u32 v3, $0x2  }
0x163: {  	v3 =	vand.u32 $0x7, v3;
	v4 =	vand.u32 $0xFFFFFFE0, v52  }
0x164: {  	v3 =	vor.u32 v3, v4  }
0x165: {  	v4 =	vperm.xlane v3, v0;
	_ =	sdelay $0x1  }
0x166: {  	v4 =	vadd.s32 v1, v4;
	_ =	sdelay $0x1  }
0x167: {  	v3 =	vperm.xlane v3, v2;
	_ =	sdelay $0x1  }
0x168: {  	v3 =	vadd.s32 v1, v3  }
0x169: {  	[tilespmem:s8], [sflag:$0x3] =	stream.indirect_vreg.gather [hbm4b:s1+s3], $0x80, v4, vm0, $0xb8;
	[tilespmem:$0x18200] =	vst v63  }
0x16a: {  	_ = 	snop  }
0x16b: {  	[tilespmem:s12], [sflag:$0x3] =	stream.indirect_vreg.gather [hbm4b:s5+s3], $0x80, v4, vm0, $0xb8;
	[tilespmem:$0x18200] =	vst v63  }
0x16c: {  	_ = 	snop  }
0x16d: {  	[tilespmem:s13], [sflag:$0x3] =	stream.indirect_vreg.gather [hbm4b:s1+s3], $0x80, v3, vm0, $0xb8;
	[tilespmem:$0x18200] =	vst v63  }
0x16e: {  	_ = 	snop  }
0x16f: {  	[tilespmem:s15], [sflag:$0x3] =	stream.indirect_vreg.gather [hbm4b:s5+s3], $0x80, v3, vm0, $0xb8;
	[tilespmem:$0x18200] =	vst v63  }
0x170: {  	v3 =	vld [tilespmem:$0x150];
	_ =	sdelay $0x4  }
0x171: {  	v53 =	vshll.u32 v3, $0x2  }
0x172: {  	v3 =	vand.u32 $0x7, v3;
	v4 =	vand.u32 $0xFFFFFFE0, v53  }
0x173: {  	v3 =	vor.u32 v3, v4  }
0x174: {  	v4 =	vperm.xlane v3, v0;
	_ =	sdelay $0x1  }
0x175: {  	v4 =	vadd.s32 v1, v4;
	_ =	sdelay $0x1  }
0x176: {  	v3 =	vperm.xlane v3, v2;
	_ =	sdelay $0x1  }
0x177: {  	v3 =	vadd.s32 v1, v3  }
0x178: {  	[tilespmem:s24], [sflag:$0x3] =	stream.indirect_vreg.gather [hbm4b:s1+s3], $0x80, v4, vm0, $0xb8;
	[tilespmem:$0x18200] =	vst v63  }
0x179: {  	_ = 	snop  }
0x17a: {  	[tilespmem:s2], [sflag:$0x3] =	stream.indirect_vreg.gather [hbm4b:s5+s3], $0x80, v4, vm0, $0xb8;
	[tilespmem:$0x18200] =	vst v63  }
0x17b: {  	_ = 	snop  }
0x17c: {  	[tilespmem:s4], [sflag:$0x3] =	stream.indirect_vreg.gather [hbm4b:s1+s3], $0x80, v3, vm0, $0xb8;
	[tilespmem:$0x18200] =	vst v63  }
0x17d: {  	_ = 	snop  }
0x17e: {  	[tilespmem:s7], [sflag:$0x3] =	stream.indirect_vreg.gather [hbm4b:s5+s3], $0x80, v3, vm0, $0xb8;
	[tilespmem:$0x18200] =	vst v63  }
0x17f: {  	v3 =	vld [tilespmem:$0x160];
	_ =	sdelay $0x4  }
0x180: {  	v54 =	vshll.u32 v3, $0x2  }
0x181: {  	v3 =	vand.u32 $0x7, v3;
	v4 =	vand.u32 $0xFFFFFFE0, v54  }
0x182: {  	v3 =	vor.u32 v3, v4  }
0x183: {  	v4 =	vperm.xlane v3, v0;
	_ =	sdelay $0x1  }
0x184: {  	v4 =	vadd.s32 v1, v4;
	_ =	sdelay $0x1  }
0x185: {  	v3 =	vperm.xlane v3, v2;
	_ =	sdelay $0x1  }
0x186: {  	v3 =	vadd.s32 v1, v3  }
0x187: {  	[tilespmem:s9], [sflag:$0x3] =	stream.indirect_vreg.gather [hbm4b:s1+s3], $0x80, v4, vm0, $0xb8;
	[tilespmem:$0x18200] =	vst v63  }
0x188: {  	_ = 	snop  }
0x189: {  	[tilespmem:s10], [sflag:$0x3] =	stream.indirect_vreg.gather [hbm4b:s5+s3], $0x80, v4, vm0, $0xb8;
	[tilespmem:$0x18200] =	vst v63  }
0x18a: {  	_ = 	snop  }
0x18b: {  	[tilespmem:s11], [sflag:$0x3] =	stream.indirect_vreg.gather [hbm4b:s1+s3], $0x80, v3, vm0, $0xb8;
	[tilespmem:$0x18200] =	vst v63  }
0x18c: {  	_ = 	snop  }
0x18d: {  	[tilespmem:s22], [sflag:$0x3] =	stream.indirect_vreg.gather [hbm4b:s5+s3], $0x80, v3, vm0, $0xb8;
	[tilespmem:$0x18200] =	vst v63  }
0x18e: {  	v3 =	vld [tilespmem:$0x170];
	_ =	sdelay $0x4  }
0x18f: {  	v55 =	vshll.u32 v3, $0x2  }
0x190: {  	v3 =	vand.u32 $0x7, v3;
	v4 =	vand.u32 $0xFFFFFFE0, v55  }
0x191: {  	v3 =	vor.u32 v3, v4  }
0x192: {  	v4 =	vperm.xlane v3, v0;
	_ =	sdelay $0x1  }
0x193: {  	v4 =	vadd.s32 v1, v4;
	_ =	sdelay $0x1  }
0x194: {  	v3 =	vperm.xlane v3, v2;
	_ =	sdelay $0x1  }
0x195: {  	v3 =	vadd.s32 v1, v3  }
0x196: {  	[tilespmem:s23], [sflag:$0x3] =	stream.indirect_vreg.gather [hbm4b:s1+s3], $0x80, v4, vm0, $0xb8;
	[tilespmem:$0x18200] =	vst v63  }
0x197: {  	_ = 	snop  }
0x198: {  	[tilespmem:s25], [sflag:$0x3] =	stream.indirect_vreg.gather [hbm4b:s5+s3], $0x80, v4, vm0, $0xb8;
	[tilespmem:$0x18200] =	vst v63  }
0x199: {  	_ = 	snop  }
0x19a: {  	[tilespmem:s26], [sflag:$0x3] =	stream.indirect_vreg.gather [hbm4b:s1+s3], $0x80, v3, vm0, $0xb8;
	[tilespmem:$0x18200] =	vst v63  }
0x19b: {  	_ = 	snop  }
0x19c: {  	[tilespmem:s28], [sflag:$0x3] =	stream.indirect_vreg.gather [hbm4b:s5+s3], $0x80, v3, vm0, $0xb8;
	[tilespmem:$0x18200] =	vst v63  }
0x19d: {  	_ =	swait.ge [sflag:s16], $0x8000  }
0x19e: {  	[sflag:s16] =	ssyncset.done $0x0  }
0x19f: {  	s2 =	rddreg [dreg:$0x8];
	[sflag:s16] =	ssyncadd.s32 $0xFFFF8000  }
0x1a0: {  	[hbm4b:s2+s3] =	stream.linear.scatter [tilespmem:s29], [sflag:$0x5], $0x8000, $0x38;
	[tilespmem:$0x18200] =	vst v63  }
0x1a1: {  	_ =	swait.ge [sflag:s17], $0x8000  }
0x1a2: {  	[sflag:s17] =	ssyncset.done $0x0  }
0x1a3: {  	[sflag:s17] =	ssyncadd.s32 $0xFFFF8000  }
0x1a4: {  	v3 =	vld [tilespmem:$0x180];
	_ =	sdelay $0x4  }
0x1a5: {  	v56 =	vshll.u32 v3, $0x2  }
0x1a6: {  	v3 =	vand.u32 $0x7, v3;
	v4 =	vand.u32 $0xFFFFFFE0, v56  }
0x1a7: {  	v3 =	vor.u32 v3, v4  }
0x1a8: {  	v4 =	vperm.xlane v3, v0;
	_ =	sdelay $0x1  }
0x1a9: {  	v4 =	vadd.s32 v1, v4;
	_ =	sdelay $0x1  }
0x1aa: {  	v3 =	vperm.xlane v3, v2;
	_ =	sdelay $0x1  }
0x1ab: {  	v3 =	vadd.s32 v1, v3  }
0x1ac: {  	[tilespmem:s0], [sflag:$0x1] =	stream.indirect_vreg.gather [hbm4b:s1+s3], $0x80, v4, vm0, $0xb8;
	[tilespmem:$0x18200] =	vst v63  }
0x1ad: {  	s21 =	simm.s32 $0xA00  }
0x1ae: {  	[tilespmem:s21], [sflag:$0x1] =	stream.indirect_vreg.gather [hbm4b:s5+s3], $0x80, v4, vm0, $0xb8;
	[tilespmem:$0x18200] =	vst v63  }
0x1af: {  	s21 =	simm.s32 $0x1200  }
0x1b0: {  	[tilespmem:s21], [sflag:$0x1] =	stream.indirect_vreg.gather [hbm4b:s1+s3], $0x80, v3, vm0, $0xb8;
	[tilespmem:$0x18200] =	vst v63  }
0x1b1: {  	s21 =	simm.s32 $0x1A00  }
0x1b2: {  	[tilespmem:s21], [sflag:$0x1] =	stream.indirect_vreg.gather [hbm4b:s5+s3], $0x80, v3, vm0, $0xb8;
	[tilespmem:$0x18200] =	vst v63  }
0x1b3: {  	v3 =	vld [tilespmem:$0x190];
	_ =	sdelay $0x4  }
0x1b4: {  	v57 =	vshll.u32 v3, $0x2  }
0x1b5: {  	v3 =	vand.u32 $0x7, v3;
	v4 =	vand.u32 $0xFFFFFFE0, v57  }
0x1b6: {  	v3 =	vor.u32 v3, v4  }
0x1b7: {  	v4 =	vperm.xlane v3, v0;
	_ =	sdelay $0x1  }
0x1b8: {  	v4 =	vadd.s32 v1, v4;
	_ =	sdelay $0x1  }
0x1b9: {  	v3 =	vperm.xlane v3, v2;
	_ =	sdelay $0x1  }
0x1ba: {  	s21 =	simm.s32 $0x2200;
	v3 =	vadd.s32 v1, v3  }
0x1bb: {  	[tilespmem:s21], [sflag:$0x1] =	stream.indirect_vreg.gather [hbm4b:s1+s3], $0x80, v4, vm0, $0xb8;
	[tilespmem:$0x18200] =	vst v63  }
0x1bc: {  	s21 =	simm.s32 $0x2A00  }
0x1bd: {  	[tilespmem:s21], [sflag:$0x1] =	stream.indirect_vreg.gather [hbm4b:s5+s3], $0x80, v4, vm0, $0xb8;
	[tilespmem:$0x18200] =	vst v63  }
0x1be: {  	s21 =	simm.s32 $0x3200  }
0x1bf: {  	[tilespmem:s21], [sflag:$0x1] =	stream.indirect_vreg.gather [hbm4b:s1+s3], $0x80, v3, vm0, $0xb8;
	[tilespmem:$0x18200] =	vst v63  }
0x1c0: {  	_ = 	snop  }
0x1c1: {  	[tilespmem:s30], [sflag:$0x1] =	stream.indirect_vreg.gather [hbm4b:s5+s3], $0x80, v3, vm0, $0xb8;
	[tilespmem:$0x18200] =	vst v63  }
0x1c2: {  	v3 =	vld [tilespmem:$0x1A0];
	_ =	sdelay $0x4  }
0x1c3: {  	v58 =	vshll.u32 v3, $0x2  }
0x1c4: {  	v3 =	vand.u32 $0x7, v3;
	v4 =	vand.u32 $0xFFFFFFE0, v58  }
0x1c5: {  	v3 =	vor.u32 v3, v4  }
0x1c6: {  	v4 =	vperm.xlane v3, v0;
	_ =	sdelay $0x1  }
0x1c7: {  	v4 =	vadd.s32 v1, v4;
	_ =	sdelay $0x1  }
0x1c8: {  	v3 =	vperm.xlane v3, v2;
	_ =	sdelay $0x1  }
0x1c9: {  	v3 =	vadd.s32 v1, v3  }
0x1ca: {  	[tilespmem:s31], [sflag:$0x1] =	stream.indirect_vreg.gather [hbm4b:s1+s3], $0x80, v4, vm0, $0xb8;
	[tilespmem:$0x18200] =	vst v63  }
0x1cb: {  	s21 =	simm.s32 $0x4A00  }
0x1cc: {  	[tilespmem:s21], [sflag:$0x1] =	stream.indirect_vreg.gather [hbm4b:s5+s3], $0x80, v4, vm0, $0xb8;
	[tilespmem:$0x18200] =	vst v63  }
0x1cd: {  	s21 =	simm.s32 $0x5200  }
0x1ce: {  	[tilespmem:s21], [sflag:$0x1] =	stream.indirect_vreg.gather [hbm4b:s1+s3], $0x80, v3, vm0, $0xb8;
	[tilespmem:$0x18200] =	vst v63  }
0x1cf: {  	s21 =	simm.s32 $0x5A00  }
0x1d0: {  	[tilespmem:s21], [sflag:$0x1] =	stream.indirect_vreg.gather [hbm4b:s5+s3], $0x80, v3, vm0, $0xb8;
	[tilespmem:$0x18200] =	vst v63  }
0x1d1: {  	v3 =	vld [tilespmem:$0x1B0];
	_ =	sdelay $0x4  }
0x1d2: {  	v59 =	vshll.u32 v3, $0x2  }
0x1d3: {  	v3 =	vand.u32 $0x7, v3;
	v4 =	vand.u32 $0xFFFFFFE0, v59  }
0x1d4: {  	v3 =	vor.u32 v3, v4  }
0x1d5: {  	v4 =	vperm.xlane v3, v0;
	_ =	sdelay $0x1  }
0x1d6: {  	v4 =	vadd.s32 v1, v4;
	_ =	sdelay $0x1  }
0x1d7: {  	v3 =	vperm.xlane v3, v2;
	_ =	sdelay $0x1  }
0x1d8: {  	s21 =	simm.s32 $0x6200;
	v3 =	vadd.s32 v1, v3  }
0x1d9: {  	[tilespmem:s21], [sflag:$0x1] =	stream.indirect_vreg.gather [hbm4b:s1+s3], $0x80, v4, vm0, $0xb8;
	[tilespmem:$0x18200] =	vst v63  }
0x1da: {  	s21 =	simm.s32 $0x6A00  }
0x1db: {  	[tilespmem:s21], [sflag:$0x1] =	stream.indirect_vreg.gather [hbm4b:s5+s3], $0x80, v4, vm0, $0xb8;
	[tilespmem:$0x18200] =	vst v63  }
0x1dc: {  	s21 =	simm.s32 $0x7200  }
0x1dd: {  	[tilespmem:s21], [sflag:$0x1] =	stream.indirect_vreg.gather [hbm4b:s1+s3], $0x80, v3, vm0, $0xb8;
	[tilespmem:$0x18200] =	vst v63  }
0x1de: {  	s21 =	simm.s32 $0x7A00  }
0x1df: {  	[tilespmem:s21], [sflag:$0x1] =	stream.indirect_vreg.gather [hbm4b:s5+s3], $0x80, v3, vm0, $0xb8;
	[tilespmem:$0x18200] =	vst v63  }
0x1e0: {  	_ =	swait.ge [sflag:s18], $0x8000  }
0x1e1: {  	[sflag:s18] =	ssyncset.done $0x0  }
0x1e2: {  	s2 =	rddreg [dreg:$0x9];
	[sflag:s18] =	ssyncadd.s32 $0xFFFF8000  }
0x1e3: {  	[hbm4b:s2+s3] =	stream.linear.scatter [tilespmem:s8], [sflag:$0x6], $0x8000, $0x38;
	[tilespmem:$0x18200] =	vst v63  }
0x1e4: {  	_ =	swait.ge [sflag:s19], $0x8000  }
0x1e5: {  	[sflag:s19] =	ssyncset.done $0x0  }
0x1e6: {  	[sflag:s19] =	ssyncadd.s32 $0xFFFF8000  }
0x1e7: {  	v3 =	vld [tilespmem:$0x1C0];
	_ =	sdelay $0x4  }
0x1e8: {  	v60 =	vshll.u32 v3, $0x2  }
0x1e9: {  	v3 =	vand.u32 $0x7, v3;
	v4 =	vand.u32 $0xFFFFFFE0, v60  }
0x1ea: {  	v3 =	vor.u32 v3, v4  }
0x1eb: {  	v4 =	vperm.xlane v3, v0;
	_ =	sdelay $0x1  }
0x1ec: {  	v4 =	vadd.s32 v1, v4;
	_ =	sdelay $0x1  }
0x1ed: {  	v3 =	vperm.xlane v3, v2;
	_ =	sdelay $0x1  }
0x1ee: {  	v3 =	vadd.s32 v1, v3  }
0x1ef: {  	[tilespmem:s29], [sflag:$0x2] =	stream.indirect_vreg.gather [hbm4b:s1+s3], $0x80, v4, vm0, $0xb8;
	[tilespmem:$0x18200] =	vst v63  }
0x1f0: {  	s21 =	simm.s32 $0x8A00  }
0x1f1: {  	[tilespmem:s21], [sflag:$0x2] =	stream.indirect_vreg.gather [hbm4b:s5+s3], $0x80, v4, vm0, $0xb8;
	[tilespmem:$0x18200] =	vst v63  }
0x1f2: {  	s21 =	simm.s32 $0x9200  }
0x1f3: {  	[tilespmem:s21], [sflag:$0x2] =	stream.indirect_vreg.gather [hbm4b:s1+s3], $0x80, v3, vm0, $0xb8;
	[tilespmem:$0x18200] =	vst v63  }
0x1f4: {  	s21 =	simm.s32 $0x9A00  }
0x1f5: {  	[tilespmem:s21], [sflag:$0x2] =	stream.indirect_vreg.gather [hbm4b:s5+s3], $0x80, v3, vm0, $0xb8;
	[tilespmem:$0x18200] =	vst v63  }
0x1f6: {  	v3 =	vld [tilespmem:$0x1D0];
	_ =	sdelay $0x4  }
0x1f7: {  	v61 =	vshll.u32 v3, $0x2  }
0x1f8: {  	v3 =	vand.u32 $0x7, v3;
	v4 =	vand.u32 $0xFFFFFFE0, v61  }
0x1f9: {  	v3 =	vor.u32 v3, v4  }
0x1fa: {  	v4 =	vperm.xlane v3, v0;
	_ =	sdelay $0x1  }
0x1fb: {  	v4 =	vadd.s32 v1, v4;
	_ =	sdelay $0x1  }
0x1fc: {  	v3 =	vperm.xlane v3, v2;
	_ =	sdelay $0x1  }
0x1fd: {  	s21 =	simm.s32 $0xA200;
	v3 =	vadd.s32 v1, v3  }
0x1fe: {  	[tilespmem:s21], [sflag:$0x2] =	stream.indirect_vreg.gather [hbm4b:s1+s3], $0x80, v4, vm0, $0xb8;
	[tilespmem:$0x18200] =	vst v63  }
0x1ff: {  	s21 =	simm.s32 $0xAA00  }
0x200: {  	[tilespmem:s21], [sflag:$0x2] =	stream.indirect_vreg.gather [hbm4b:s5+s3], $0x80, v4, vm0, $0xb8;
	[tilespmem:$0x18200] =	vst v63  }
0x201: {  	s21 =	simm.s32 $0xB200  }
0x202: {  	[tilespmem:s21], [sflag:$0x2] =	stream.indirect_vreg.gather [hbm4b:s1+s3], $0x80, v3, vm0, $0xb8;
	[tilespmem:$0x18200] =	vst v63  }
0x203: {  	s21 =	simm.s32 $0xBA00  }
0x204: {  	[tilespmem:s21], [sflag:$0x2] =	stream.indirect_vreg.gather [hbm4b:s5+s3], $0x80, v3, vm0, $0xb8;
	[tilespmem:$0x18200] =	vst v63  }
0x205: {  	v3 =	vld [tilespmem:$0x1E0];
	_ =	sdelay $0x4  }
0x206: {  	v62 =	vshll.u32 v3, $0x2  }
0x207: {  	v3 =	vand.u32 $0x7, v3;
	v4 =	vand.u32 $0xFFFFFFE0, v62  }
0x208: {  	v3 =	vor.u32 v3, v4  }
0x209: {  	v4 =	vperm.xlane v3, v0;
	_ =	sdelay $0x1  }
0x20a: {  	v4 =	vadd.s32 v1, v4;
	_ =	sdelay $0x1  }
0x20b: {  	v3 =	vperm.xlane v3, v2;
	_ =	sdelay $0x1  }
0x20c: {  	s21 =	simm.s32 $0xC200;
	v3 =	vadd.s32 v1, v3  }
0x20d: {  	[tilespmem:s21], [sflag:$0x2] =	stream.indirect_vreg.gather [hbm4b:s1+s3], $0x80, v4, vm0, $0xb8;
	[tilespmem:$0x18200] =	vst v63  }
0x20e: {  	s21 =	simm.s32 $0xCA00  }
0x20f: {  	[tilespmem:s21], [sflag:$0x2] =	stream.indirect_vreg.gather [hbm4b:s5+s3], $0x80, v4, vm0, $0xb8;
	[tilespmem:$0x18200] =	vst v63  }
0x210: {  	s21 =	simm.s32 $0xD200  }
0x211: {  	[tilespmem:s21], [sflag:$0x2] =	stream.indirect_vreg.gather [hbm4b:s1+s3], $0x80, v3, vm0, $0xb8;
	[tilespmem:$0x18200] =	vst v63  }
0x212: {  	s21 =	simm.s32 $0xDA00  }
0x213: {  	[tilespmem:s21], [sflag:$0x2] =	stream.indirect_vreg.gather [hbm4b:s5+s3], $0x80, v3, vm0, $0xb8;
	[tilespmem:$0x18200] =	vst v63  }
0x214: {  	v3 =	vld [tilespmem:$0x1F0];
	_ =	sdelay $0x4  }
0x215: {  	v63 =	vshll.u32 v3, $0x2  }
0x216: {  	v3 =	vand.u32 $0x7, v3;
	v4 =	vand.u32 $0xFFFFFFE0, v63  }
0x217: {  	v3 =	vor.u32 v3, v4  }
0x218: {  	v4 =	vperm.xlane v3, v0;
	_ =	sdelay $0x1  }
0x219: {  	v4 =	vadd.s32 v1, v4;
	_ =	sdelay $0x1  }
0x21a: {  	v3 =	vperm.xlane v3, v2;
	_ =	sdelay $0x1  }
0x21b: {  	s21 =	simm.s32 $0xE200;
	v3 =	vadd.s32 v1, v3  }
0x21c: {  	[tilespmem:s21], [sflag:$0x2] =	stream.indirect_vreg.gather [hbm4b:s1+s3], $0x80, v4, vm0, $0xb8;
	[tilespmem:$0x18200] =	vst v63  }
0x21d: {  	s21 =	simm.s32 $0xEA00  }
0x21e: {  	[tilespmem:s21], [sflag:$0x2] =	stream.indirect_vreg.gather [hbm4b:s5+s3], $0x80, v4, vm0, $0xb8;
	[tilespmem:$0x18200] =	vst v63  }
0x21f: {  	s21 =	simm.s32 $0xF200  }
0x220: {  	[tilespmem:s21], [sflag:$0x2] =	stream.indirect_vreg.gather [hbm4b:s1+s3], $0x80, v3, vm0, $0xb8;
	[tilespmem:$0x18200] =	vst v63  }
0x221: {  	s21 =	simm.s32 $0xFA00  }
0x222: {  	[tilespmem:s21], [sflag:$0x2] =	stream.indirect_vreg.gather [hbm4b:s5+s3], $0x80, v3, vm0, $0xb8;
	[tilespmem:$0x18200] =	vst v63  }
0x223: {  	_ =	swait.ge [sflag:s14], $0x8000  }
0x224: {  	[sflag:s14] =	ssyncset.done $0x0  }
0x225: {  	s2 =	rddreg [dreg:$0xa];
	[sflag:s14] =	ssyncadd.s32 $0xFFFF8000  }
0x226: {  	[hbm4b:s2+s3] =	stream.linear.scatter [tilespmem:s0], [sflag:$0x4], $0x8000, $0x38;
	[tilespmem:$0x18200] =	vst v63  }
0x227: {  	_ =	swait.ge [sflag:s16], $0x8000  }
0x228: {  	[sflag:s16] =	ssyncset.done $0x0  }
0x229: {  	s2 =	rddreg [dreg:$0xb];
	[sflag:s16] =	ssyncadd.s32 $0xFFFF8000  }
0x22a: {  	[hbm4b:s2+s3] =	stream.linear.scatter [tilespmem:s29], [sflag:$0x5], $0x8000, $0x38;
	[tilespmem:$0x18200] =	vst v63  }
0x22b: {  	_ =	swait.ge [sflag:s20], $0x8000  }
0x22c: {  	[sflag:s20] =	ssyncset.done $0x0  }
0x22d: {  	[sflag:s20] =	ssyncadd.s32 $0xFFFF8000  }
0x22e: {  	p0 =	sne.s32 s6, $0x1;
	_ =	swait.ge [sflag:s17], $0x8000  }
.Ltmp0:
0x22f: {  	[sflag:s17] =	ssyncset.done $0x0;
	(pc) =	sbr.rel @p0 .LBB2_1-.Ltmp0, $4  }
0x230: {  	[sflag:s17] =	ssyncadd.s32 $0xFFFF8000  }
0x231: {  	_ =	swait.ge [sflag:s19], $0x8000  }
0x232: {  	[sflag:s19] =	ssyncset.done $0x0  }
0x233: {  	s6 =	sadd.s32 $0xFFFFFFFF, s6;
	[sflag:s19] =	ssyncadd.s32 $0xFFFF8000  }
0x234: {  	_ =	sfence.sel $0x180000  }
0x235: {  	[bflag:$0x0] =	sbarrier.arrive $0xFFFF  }
0x236: {  	_ =	strace $0x90000047  }
0x237: {  	s0 =	stileid.u32;
	[bflag:$0x2] =	sbarrier.arrive $0xFFFF  }
0x238: {  	p0 =	sne.s32 s0, $0x0;
	s0 =	rddreg [dreg:$0x3]  }
0x239: {  	s0 =	sadd.s32 @!p0 $0x100000, s0  }
0x23a: {  	[sflag:s0] =	ssyncadd.tile.s32 @!p0 $0x1;
	_ =	shalt  }
.Lfunc_end2:
_tile_overlayer_lowered:
.L_overlay_start_2:
0x23b: {  	(tag) =	ssettag $0x2  }
0x23c: {  	s0 =	rddreg [dreg:$0x0];
	s2 =	stileid.u32  }
0x23d: {  	s1 =	rddreg [dreg:$0x1];
	p0 =	sne.s32 s2, $0x0  }
0x23e: {  	s3 =	rddreg [dreg:$0x2];
	[bflag:$0x3] =	sbarrier.arrive $0xFFFF;
	s2 =	simm.s32 @!p0 $0x1C07  }
0x23f: {  	[timem:s3], [sflag:s2] =	dma.local @!p0 [hbm:s0], s1  }
0x240: {  	s0 =	simm.s32 @!p0 $0x7  }
0x241: {  	_ =	swait.ge @!p0 [sflag:s0], s1  }
0x242: {  	s1 =	ssub.s32 @!p0 $0x0, s1;
	[sflag:s0] =	ssyncset.done @!p0 $0x0  }
0x243: {  	[sflag:s0] =	ssyncadd.s32 @!p0 s1  }
0x244: {  	[bflag:$0x3] =	sbarrier.arrive $0xFFFF  }
0x245: {  	_ =	shalt  }

</sc_bundles>
